<compile_context>
chip_gen: v7x
topology: tpu7x:2x2x1
jax: 0.10.2.dev20260603
libtpu: 0.0.44.dev20260713+nightly
codegen_flags: <defaults>
</compile_context>

<pallas_src>
import functools

import jax
import jax.numpy as jnp
import numpy as np
from jax import lax
from jax.experimental import pallas as pl
from jax.experimental.pallas import tpu as pltpu
from jax.experimental.pallas import tpu_sc as plsc

N = 16777216
NC, NS, L = 2, 16, 16
NW = NC * NS
PER_W = N // NW
CHUNK = 16384
NCHUNK = PER_W // CHUNK
UNROLL = 8

_SCALE = np.float32(8.0 / 7.0)
_BIAS = np.float32(64.0 / 7.0)


def _tables():
    seg_fp = np.linspace(-8.0, 6.0, 17).astype(np.float32)
    silu_fp = (seg_fp.astype(np.float64) /
               (1.0 + np.exp(-seg_fp.astype(np.float64))))
    silu_vals = np.round(silu_fp * 1024.0).astype(np.int64)
    y0 = silu_vals[:16] / 1024.0
    dy = (silu_vals[1:] - silu_vals[:16]) / 1024.0
    a = (y0 - np.arange(16) * dy).astype(np.float32)
    return a, dy.astype(np.float32)


_Y0, _DY = _tables()


_GATHER_DNUMS = lax.GatherDimensionNumbers(
    offset_dims=(), collapsed_slice_dims=(0,), start_index_map=(0,))


def _vgather(table, idx):
    return lax.gather(
        table, idx[:, None], _GATHER_DNUMS, (1,),
        mode=lax.GatherScatterMode.PROMISE_IN_BOUNDS)


def _silu_vec(xv, a_t, dy_t):
    v = jnp.maximum(xv * _SCALE + _BIAS, 0.0)
    idx = jnp.minimum(v, 15.5).astype(jnp.int32)
    return _vgather(a_t, idx) + v * _vgather(dy_t, idx)


def _compute_chunk(xb, ob, y0_t, dy_t):
    def vec_step(k, _):
        for u in range(UNROLL):
            j = (k * UNROLL + u) * L
            ob[pl.ds(j, L)] = _silu_vec(xb[pl.ds(j, L)], y0_t, dy_t)
        return 0

    lax.fori_loop(0, CHUNK // (L * UNROLL), vec_step, 0)


def _body(x_hbm, y0_hbm, dy_hbm, out_hbm,
          xb0, xb1, ob0, ob1, y0_v, dy_v, is0, is1, os0, os1):
    wid = lax.axis_index("s") * NC + lax.axis_index("c")
    base = wid * PER_W
    pltpu.sync_copy(y0_hbm, y0_v)
    pltpu.sync_copy(dy_hbm, dy_v)
    y0_t = y0_v[...]
    dy_t = dy_v[...]

    pltpu.async_copy(x_hbm.at[pl.ds(base, CHUNK)], xb0, is0)

    bufs = ((xb0, ob0, is0, os0), (xb1, ob1, is1, os1))

    def step(ci2, _):
        i0 = ci2 * 2
        for ph in (0, 1):
            xb, ob, isem, osem = bufs[ph]
            nxb, _, nisem, _ = bufs[1 - ph]
            i = i0 + ph
            nxt = i + 1

            if ph == 0:
                pltpu.async_copy(
                    x_hbm.at[pl.ds(base + nxt * CHUNK, CHUNK)], nxb, nisem)
            else:
                @pl.when(nxt < NCHUNK)
                def _():
                    pltpu.async_copy(
                        x_hbm.at[pl.ds(base + nxt * CHUNK, CHUNK)], nxb, nisem)

            pltpu.make_async_copy(
                x_hbm.at[pl.ds(base, CHUNK)], xb, isem).wait()

            @pl.when(i >= 2)
            def _():
                pltpu.make_async_copy(
                    ob, out_hbm.at[pl.ds(base, CHUNK)], osem).wait()

            _compute_chunk(xb, ob, y0_t, dy_t)
            pltpu.async_copy(
                ob, out_hbm.at[pl.ds(base + i * CHUNK, CHUNK)], osem)
        return 0

    lax.fori_loop(0, NCHUNK // 2, step, 0)
    pltpu.make_async_copy(ob0, out_hbm.at[pl.ds(base, CHUNK)], os0).wait()
    pltpu.make_async_copy(ob1, out_hbm.at[pl.ds(base, CHUNK)], os1).wait()


@functools.partial(
    pl.kernel,
    mesh=plsc.VectorSubcoreMesh(core_axis_name="c", subcore_axis_name="s"),
    out_type=jax.ShapeDtypeStruct((N,), jnp.float32),
    scratch_types=[
        pltpu.VMEM((CHUNK,), jnp.float32),
        pltpu.VMEM((CHUNK,), jnp.float32),
        pltpu.VMEM((CHUNK,), jnp.float32),
        pltpu.VMEM((CHUNK,), jnp.float32),
        pltpu.VMEM((16,), jnp.float32),
        pltpu.VMEM((16,), jnp.float32),
        pltpu.SemaphoreType.DMA,
        pltpu.SemaphoreType.DMA,
        pltpu.SemaphoreType.DMA,
        pltpu.SemaphoreType.DMA,
    ],
)
def _silu_sc(x_hbm, y0_hbm, dy_hbm, out_hbm,
             xb0, xb1, ob0, ob1, y0_v, dy_v, is0, is1, os0, os1):
    _body(x_hbm, y0_hbm, dy_hbm, out_hbm,
          xb0, xb1, ob0, ob1, y0_v, dy_v, is0, is1, os0, os1)


def kernel(x):
    return _silu_sc(x, jnp.asarray(_Y0), jnp.asarray(_DY))

# --- scband reference (transcript-rebuilt; emitter-appended) ---
"""Pipeline reference for scband-approx-si-lu16-fxp-77730318123311 (READ-ONLY COPY).

The authoritative reference and input builder live on the scoring server;
editing this copy changes nothing except your own understanding.
"""

import jax, jax.numpy as jnp
import numpy as np

IN_FRAC = 11
OUT_FRAC = 10

def _build_tables():
    segment_fp = jnp.linspace(-8.0, 6.0, 17)
    silu_fp = segment_fp * jax.nn.sigmoid(segment_fp)
    segment = jnp.round(segment_fp * (1 << IN_FRAC)).astype(jnp.int32)
    silu_vals = jnp.round(silu_fp * (1 << OUT_FRAC)).astype(jnp.int32)
    return segment, silu_vals

def setup_inputs(seed: int = 0) -> dict:
    key = jax.random.key(seed)
    x = jax.random.normal(key, (16777216,), dtype=jnp.float32)
    return {"x": x}

def reference(x):
    segment, silu_vals = _build_tables()
    x_int = jnp.round(x * (1 << IN_FRAC)).astype(jnp.int32)
    max_seg = segment[-1]
    min_seg = segment[0]
    mask_right = x_int > max_seg
    right_val = x_int >> (IN_FRAC - OUT_FRAC)
    x_clamped = jnp.clip(x_int, min_seg, max_seg)
    # torch.bucketize(..., right=False) == searchsorted side='left'
    idx = jnp.searchsorted(segment, x_clamped, side='left') - 1
    idx = jnp.clip(idx, 0, segment.shape[0] - 2)
    x0 = segment[idx]
    x1 = segment[idx + 1]
    y0 = silu_vals[idx]
    y1 = silu_vals[idx + 1]
    dx = x_clamped - x0
    dx_total = x1 - x0
    dx_total = jnp.clip(dx_total, 1, None)
    t_fx = ((dx << OUT_FRAC) + dx_total // 2) // dx_total
    dy = y1 - y0
    interp = y0 + ((t_fx * dy + (1 << (OUT_FRAC - 1))) >> OUT_FRAC)
    out_int = jnp.where(mask_right, right_val, interp)
    return out_int.astype(jnp.float32) / (1 << OUT_FRAC)

if __name__ == "__main__":
    import jax
    _d = setup_inputs()
    print(jax.jit(kernel)(*tuple(_d.values())))

</pallas_src>

<mosaic_0001>
#map = affine_map<(d0, d1) -> (0)>
module attributes {stable_mosaic.version = 14 : i64} {
  func.func @_silu_sc(%arg0: i32, %arg1: i32, %arg2: memref<16777216xf32, #tpu.memory_space<hbm>>, %arg3: memref<16xf32, #tpu.memory_space<hbm>>, %arg4: memref<16xf32, #tpu.memory_space<hbm>>, %arg5: memref<16777216xf32, #tpu.memory_space<hbm>>, %arg6: memref<16384xf32, #tpu.memory_space<vmem>>, %arg7: memref<16384xf32, #tpu.memory_space<vmem>>, %arg8: memref<16384xf32, #tpu.memory_space<vmem>>, %arg9: memref<16384xf32, #tpu.memory_space<vmem>>, %arg10: memref<16xf32, #tpu.memory_space<vmem>>, %arg11: memref<16xf32, #tpu.memory_space<vmem>>, %arg12: memref<!tpu.dma_semaphore, #tpu.memory_space<semaphore_mem>>, %arg13: memref<!tpu.dma_semaphore, #tpu.memory_space<semaphore_mem>>, %arg14: memref<!tpu.dma_semaphore, #tpu.memory_space<semaphore_mem>>, %arg15: memref<!tpu.dma_semaphore, #tpu.memory_space<semaphore_mem>>) attributes {dimension_semantics = [#tpu.dimension_semantics<core_parallel>, #tpu.dimension_semantics<subcore_parallel>], iteration_bounds = array<i64: 2, 16>, scalar_prefetch = 0 : i64, scratch_operands = 10 : i64, tpu.core_type = #tpu.core_type<sc_vector_subcore>, window_params = [{transform_indices = #map}, {transform_indices = #map}, {transform_indices = #map}, {transform_indices = #map}]} {
    %mul3A = arith.constant 2 : i32
    %mul3A_0 = arith.muli %arg1, %mul3A : i32
    %add3A = arith.addi %mul3A_0, %arg0 : i32
    %mul3A_1 = arith.constant 524288 : i32
    %mul3A_2 = arith.muli %add3A, %mul3A_1 : i32
    "tpu.region"() ({
      %run_scoped3A = tpu.sem_alloc : memref<!tpu.dma_semaphore, #tpu.memory_space<semaphore_mem>>
      tpu.enqueue_dma source(%arg3 : memref<16xf32, #tpu.memory_space<hbm>>) target(%arg10 : memref<16xf32, #tpu.memory_space<vmem>>) target_semaphore(%run_scoped3A : memref<!tpu.dma_semaphore, #tpu.memory_space<semaphore_mem>>)
      tpu.wait_dma2 semaphore(%run_scoped3A : memref<!tpu.dma_semaphore, #tpu.memory_space<semaphore_mem>>) src(%arg3 : memref<16xf32, #tpu.memory_space<hbm>>) dst(%arg10 : memref<16xf32, #tpu.memory_space<vmem>>)
      tpu.yield
    }) : () -> ()
    "tpu.region"() ({
      %run_scoped3A = tpu.sem_alloc : memref<!tpu.dma_semaphore, #tpu.memory_space<semaphore_mem>>
      tpu.enqueue_dma source(%arg4 : memref<16xf32, #tpu.memory_space<hbm>>) target(%arg11 : memref<16xf32, #tpu.memory_space<vmem>>) target_semaphore(%run_scoped3A : memref<!tpu.dma_semaphore, #tpu.memory_space<semaphore_mem>>)
      tpu.wait_dma2 semaphore(%run_scoped3A : memref<!tpu.dma_semaphore, #tpu.memory_space<semaphore_mem>>) src(%arg4 : memref<16xf32, #tpu.memory_space<hbm>>) dst(%arg11 : memref<16xf32, #tpu.memory_space<vmem>>)
      tpu.yield
    }) : () -> ()
    %get3A = arith.constant 0 : index
    %get3A_3 = tpu.vector_load %arg10[%get3A] {strides = array<i32>} : memref<16xf32, #tpu.memory_space<vmem>>, vector<16xf32>,
    %get3A_4 = vector.shape_cast %get3A_3 : vector<16xf32> to vector<16xf32>
    %get3A_5 = arith.constant 0 : index
    %get3A_6 = tpu.vector_load %arg11[%get3A_5] {strides = array<i32>} : memref<16xf32, #tpu.memory_space<vmem>>, vector<16xf32>,
    %get3A_7 = vector.shape_cast %get3A_6 : vector<16xf32> to vector<16xf32>
    %dma_start3A = tpu.memref_slice %arg2[%mul3A_2] : memref<16777216xf32, #tpu.memory_space<hbm>> -> memref<16384xf32, #tpu.memory_space<hbm>>
    %dma_start3A_8 = tpu.memref_slice %arg2[%mul3A_2] : memref<16777216xf32, #tpu.memory_space<hbm>> -> memref<16384xf32, #tpu.memory_space<hbm>>
    tpu.enqueue_dma source(%dma_start3A_8 : memref<16384xf32, #tpu.memory_space<hbm>>) target(%arg6 : memref<16384xf32, #tpu.memory_space<vmem>>) target_semaphore(%arg12 : memref<!tpu.dma_semaphore, #tpu.memory_space<semaphore_mem>>)
    %scan3A = arith.constant 0 : i32
    %scan3A_9 = arith.constant 0 : i32
    %scan3A_10 = arith.constant 16 : i32
    %scan3A_11 = arith.addi %scan3A_9, %scan3A_10 : i32
    %scan3A_12 = arith.constant 1 : i32
    %scan3A_13 = scf.for %scan3A_18 = %scan3A_9 to %scan3A_11 step %scan3A_12 iter_args(%scan3A_19 = %scan3A) -> (i32)  : i32 {
      %mul3A_20 = arith.constant 2 : i32
      %mul3A_21 = arith.muli %scan3A_18, %mul3A_20 : i32
      %add3A_22 = arith.constant 0 : i32
      %add3A_23 = arith.addi %mul3A_21, %add3A_22 : i32
      %add3A_24 = arith.constant 1 : i32
      %add3A_25 = arith.addi %add3A_23, %add3A_24 : i32
      %mul3A_26 = arith.constant 16384 : i32
      %mul3A_27 = arith.muli %add3A_25, %mul3A_26 : i32
      %add3A_28 = arith.addi %mul3A_2, %mul3A_27 : i32
      %dma_start3A_29 = tpu.memref_slice %arg2[%add3A_28] : memref<16777216xf32, #tpu.memory_space<hbm>> -> memref<16384xf32, #tpu.memory_space<hbm>>
      %dma_start3A_30 = tpu.memref_slice %arg2[%add3A_28] : memref<16777216xf32, #tpu.memory_space<hbm>> -> memref<16384xf32, #tpu.memory_space<hbm>>
      tpu.enqueue_dma source(%dma_start3A_30 : memref<16384xf32, #tpu.memory_space<hbm>>) target(%arg7 : memref<16384xf32, #tpu.memory_space<vmem>>) target_semaphore(%arg13 : memref<!tpu.dma_semaphore, #tpu.memory_space<semaphore_mem>>)
      %dma_wait3A_31 = tpu.memref_slice %arg2[%mul3A_2] : memref<16777216xf32, #tpu.memory_space<hbm>> -> memref<16384xf32, #tpu.memory_space<hbm>>
      %dma_wait3A_32 = tpu.memref_slice %arg2[%mul3A_2] : memref<16777216xf32, #tpu.memory_space<hbm>> -> memref<16384xf32, #tpu.memory_space<hbm>>
      tpu.wait_dma2 semaphore(%arg12 : memref<!tpu.dma_semaphore, #tpu.memory_space<semaphore_mem>>) src(%dma_wait3A_32 : memref<16384xf32, #tpu.memory_space<hbm>>) dst(%arg6 : memref<16384xf32, #tpu.memory_space<vmem>>)
      %ge3A = arith.constant 2 : i32
      %ge3A_33 = arith.cmpi sge, %add3A_23, %ge3A : i32
      %convert_element_type3A = arith.extui %ge3A_33 : i1 to i32
      %cond3A = arith.constant 0 : i32
      %cond3A_34 = arith.cmpi ne, %convert_element_type3A, %cond3A : i32
      scf.if %cond3A_34 {
        %dma_wait3A_75 = tpu.memref_slice %arg5[%mul3A_2] : memref<16777216xf32, #tpu.memory_space<hbm>> -> memref<16384xf32, #tpu.memory_space<hbm>>
        %dma_wait3A_76 = tpu.memref_slice %arg5[%mul3A_2] : memref<16777216xf32, #tpu.memory_space<hbm>> -> memref<16384xf32, #tpu.memory_space<hbm>>
        tpu.wait_dma2 semaphore(%arg14 : memref<!tpu.dma_semaphore, #tpu.memory_space<semaphore_mem>>) src(%arg8 : memref<16384xf32, #tpu.memory_space<vmem>>) dst(%dma_wait3A_76 : memref<16384xf32, #tpu.memory_space<hbm>>)
      } else {
      }
      %scan3A_35 = arith.constant 0 : i32
      %scan3A_36 = arith.constant 0 : i32
      %scan3A_37 = arith.constant 128 : i32
      %scan3A_38 = arith.addi %scan3A_36, %scan3A_37 : i32
      %scan3A_39 = arith.constant 1 : i32
      %scan3A_40 = scf.for %scan3A_75 = %scan3A_36 to %scan3A_38 step %scan3A_39 iter_args(%scan3A_76 = %scan3A_35) -> (i32)  : i32 {
        %mul3A_77 = arith.constant 8 : i32
        %mul3A_78 = arith.muli %scan3A_75, %mul3A_77 : i32
        %add3A_79 = arith.constant 0 : i32
        %add3A_80 = arith.addi %mul3A_78, %add3A_79 : i32
        %mul3A_81 = arith.constant 16 : i32
        %mul3A_82 = arith.muli %add3A_80, %mul3A_81 : i32
        %get3A_83 = arith.index_cast %mul3A_82 : i32 to index
        %get3A_84 = tpu.vector_load %arg6[%get3A_83] {strides = array<i32>} : memref<16384xf32, #tpu.memory_space<vmem>>, vector<16xf32>,
        %get3A_85 = vector.shape_cast %get3A_84 : vector<16xf32> to vector<16xf32>
        %mul3A_86 = arith.constant 1.14285719 : f32
        %mul3A_87 = vector.broadcast %mul3A_86 : f32 to vector<16xf32>
        %mul3A_88 = arith.mulf %get3A_85, %mul3A_87 : vector<16xf32>
        %add3A_89 = arith.constant 9.14285755 : f32
        %add3A_90 = vector.broadcast %add3A_89 : f32 to vector<16xf32>
        %add3A_91 = arith.addf %mul3A_88, %add3A_90 : vector<16xf32>
        %max3A = arith.constant 0.000000e+00 : f32
        %max3A_92 = vector.broadcast %max3A : f32 to vector<16xf32>
        %max3A_93 = arith.maximumf %add3A_91, %max3A_92 : vector<16xf32>
        %min3A = arith.constant 1.550000e+01 : f32
        %min3A_94 = vector.broadcast %min3A : f32 to vector<16xf32>
        %min3A_95 = arith.minimumf %max3A_93, %min3A_94 : vector<16xf32>
        %convert_element_type3A_96 = arith.fptosi %min3A_95 : vector<16xf32> to vector<16xi32>
        %broadcast_in_dim3A = vector.shape_cast %convert_element_type3A_96 : vector<16xi32> to vector<16x1xi32>
        %gather3A = vector.shape_cast %broadcast_in_dim3A : vector<16x1xi32> to vector<16xi32>
        %gather3A_97 = tpu.dynamic_gather %get3A_4[%gather3A] in [0] : vector<16xf32>, vector<16xi32> -> vector<16xf32>
        %broadcast_in_dim3A_98 = vector.shape_cast %convert_element_type3A_96 : vector<16xi32> to vector<16x1xi32>
        %gather3A_99 = vector.shape_cast %broadcast_in_dim3A_98 : vector<16x1xi32> to vector<16xi32>
        %gather3A_100 = tpu.dynamic_gather %get3A_7[%gather3A_99] in [0] : vector<16xf32>, vector<16xi32> -> vector<16xf32>
        %mul3A_101 = arith.mulf %max3A_93, %gather3A_100 : vector<16xf32>
        %add3A_102 = arith.addf %gather3A_97, %mul3A_101 : vector<16xf32>
        %swap3A = arith.index_cast %mul3A_82 : i32 to index
        %swap3A_103 = tpu.vector_load %arg8[%swap3A] {strides = array<i32>} : memref<16384xf32, #tpu.memory_space<vmem>>, vector<16xf32>,
        %swap3A_104 = vector.shape_cast %swap3A_103 : vector<16xf32> to vector<16xf32>
        %swap3A_105 = vector.shape_cast %add3A_102 : vector<16xf32> to vector<16xf32>
        tpu.vector_store %arg8[%swap3A], %swap3A_105 {strides = array<i32>} : memref<16384xf32, #tpu.memory_space<vmem>>, vector<16xf32>,
        %mul3A_106 = arith.constant 8 : i32
        %mul3A_107 = arith.muli %scan3A_75, %mul3A_106 : i32
        %add3A_108 = arith.constant 1 : i32
        %add3A_109 = arith.addi %mul3A_107, %add3A_108 : i32
        %mul3A_110 = arith.constant 16 : i32
        %mul3A_111 = arith.muli %add3A_109, %mul3A_110 : i32
        %get3A_112 = arith.index_cast %mul3A_111 : i32 to index
        %get3A_113 = tpu.vector_load %arg6[%get3A_112] {strides = array<i32>} : memref<16384xf32, #tpu.memory_space<vmem>>, vector<16xf32>,
        %get3A_114 = vector.shape_cast %get3A_113 : vector<16xf32> to vector<16xf32>
        %mul3A_115 = arith.constant 1.14285719 : f32
        %mul3A_116 = vector.broadcast %mul3A_115 : f32 to vector<16xf32>
        %mul3A_117 = arith.mulf %get3A_114, %mul3A_116 : vector<16xf32>
        %add3A_118 = arith.constant 9.14285755 : f32
        %add3A_119 = vector.broadcast %add3A_118 : f32 to vector<16xf32>
        %add3A_120 = arith.addf %mul3A_117, %add3A_119 : vector<16xf32>
        %max3A_121 = arith.constant 0.000000e+00 : f32
        %max3A_122 = vector.broadcast %max3A_121 : f32 to vector<16xf32>
        %max3A_123 = arith.maximumf %add3A_120, %max3A_122 : vector<16xf32>
        %min3A_124 = arith.constant 1.550000e+01 : f32
        %min3A_125 = vector.broadcast %min3A_124 : f32 to vector<16xf32>
        %min3A_126 = arith.minimumf %max3A_123, %min3A_125 : vector<16xf32>
        %convert_element_type3A_127 = arith.fptosi %min3A_126 : vector<16xf32> to vector<16xi32>
        %broadcast_in_dim3A_128 = vector.shape_cast %convert_element_type3A_127 : vector<16xi32> to vector<16x1xi32>
        %gather3A_129 = vector.shape_cast %broadcast_in_dim3A_128 : vector<16x1xi32> to vector<16xi32>
        %gather3A_130 = tpu.dynamic_gather %get3A_4[%gather3A_129] in [0] : vector<16xf32>, vector<16xi32> -> vector<16xf32>
        %broadcast_in_dim3A_131 = vector.shape_cast %convert_element_type3A_127 : vector<16xi32> to vector<16x1xi32>
        %gather3A_132 = vector.shape_cast %broadcast_in_dim3A_131 : vector<16x1xi32> to vector<16xi32>
        %gather3A_133 = tpu.dynamic_gather %get3A_7[%gather3A_132] in [0] : vector<16xf32>, vector<16xi32> -> vector<16xf32>
        %mul3A_134 = arith.mulf %max3A_123, %gather3A_133 : vector<16xf32>
        %add3A_135 = arith.addf %gather3A_130, %mul3A_134 : vector<16xf32>
        %swap3A_136 = arith.index_cast %mul3A_111 : i32 to index
        %swap3A_137 = tpu.vector_load %arg8[%swap3A_136] {strides = array<i32>} : memref<16384xf32, #tpu.memory_space<vmem>>, vector<16xf32>,
        %swap3A_138 = vector.shape_cast %swap3A_137 : vector<16xf32> to vector<16xf32>
        %swap3A_139 = vector.shape_cast %add3A_135 : vector<16xf32> to vector<16xf32>
        tpu.vector_store %arg8[%swap3A_136], %swap3A_139 {strides = array<i32>} : memref<16384xf32, #tpu.memory_space<vmem>>, vector<16xf32>,
        %mul3A_140 = arith.constant 8 : i32
        %mul3A_141 = arith.muli %scan3A_75, %mul3A_140 : i32
        %add3A_142 = arith.constant 2 : i32
        %add3A_143 = arith.addi %mul3A_141, %add3A_142 : i32
        %mul3A_144 = arith.constant 16 : i32
        %mul3A_145 = arith.muli %add3A_143, %mul3A_144 : i32
        %get3A_146 = arith.index_cast %mul3A_145 : i32 to index
        %get3A_147 = tpu.vector_load %arg6[%get3A_146] {strides = array<i32>} : memref<16384xf32, #tpu.memory_space<vmem>>, vector<16xf32>,
        %get3A_148 = vector.shape_cast %get3A_147 : vector<16xf32> to vector<16xf32>
        %mul3A_149 = arith.constant 1.14285719 : f32
        %mul3A_150 = vector.broadcast %mul3A_149 : f32 to vector<16xf32>
        %mul3A_151 = arith.mulf %get3A_148, %mul3A_150 : vector<16xf32>
        %add3A_152 = arith.constant 9.14285755 : f32
        %add3A_153 = vector.broadcast %add3A_152 : f32 to vector<16xf32>
        %add3A_154 = arith.addf %mul3A_151, %add3A_153 : vector<16xf32>
        %max3A_155 = arith.constant 0.000000e+00 : f32
        %max3A_156 = vector.broadcast %max3A_155 : f32 to vector<16xf32>
        %max3A_157 = arith.maximumf %add3A_154, %max3A_156 : vector<16xf32>
        %min3A_158 = arith.constant 1.550000e+01 : f32
        %min3A_159 = vector.broadcast %min3A_158 : f32 to vector<16xf32>
        %min3A_160 = arith.minimumf %max3A_157, %min3A_159 : vector<16xf32>
        %convert_element_type3A_161 = arith.fptosi %min3A_160 : vector<16xf32> to vector<16xi32>
        %broadcast_in_dim3A_162 = vector.shape_cast %convert_element_type3A_161 : vector<16xi32> to vector<16x1xi32>
        %gather3A_163 = vector.shape_cast %broadcast_in_dim3A_162 : vector<16x1xi32> to vector<16xi32>
        %gather3A_164 = tpu.dynamic_gather %get3A_4[%gather3A_163] in [0] : vector<16xf32>, vector<16xi32> -> vector<16xf32>
        %broadcast_in_dim3A_165 = vector.shape_cast %convert_element_type3A_161 : vector<16xi32> to vector<16x1xi32>
        %gather3A_166 = vector.shape_cast %broadcast_in_dim3A_165 : vector<16x1xi32> to vector<16xi32>
        %gather3A_167 = tpu.dynamic_gather %get3A_7[%gather3A_166] in [0] : vector<16xf32>, vector<16xi32> -> vector<16xf32>
        %mul3A_168 = arith.mulf %max3A_157, %gather3A_167 : vector<16xf32>
        %add3A_169 = arith.addf %gather3A_164, %mul3A_168 : vector<16xf32>
        %swap3A_170 = arith.index_cast %mul3A_145 : i32 to index
        %swap3A_171 = tpu.vector_load %arg8[%swap3A_170] {strides = array<i32>} : memref<16384xf32, #tpu.memory_space<vmem>>, vector<16xf32>,
        %swap3A_172 = vector.shape_cast %swap3A_171 : vector<16xf32> to vector<16xf32>
        %swap3A_173 = vector.shape_cast %add3A_169 : vector<16xf32> to vector<16xf32>
        tpu.vector_store %arg8[%swap3A_170], %swap3A_173 {strides = array<i32>} : memref<16384xf32, #tpu.memory_space<vmem>>, vector<16xf32>,
        %mul3A_174 = arith.constant 8 : i32
        %mul3A_175 = arith.muli %scan3A_75, %mul3A_174 : i32
        %add3A_176 = arith.constant 3 : i32
        %add3A_177 = arith.addi %mul3A_175, %add3A_176 : i32
        %mul3A_178 = arith.constant 16 : i32
        %mul3A_179 = arith.muli %add3A_177, %mul3A_178 : i32
        %get3A_180 = arith.index_cast %mul3A_179 : i32 to index
        %get3A_181 = tpu.vector_load %arg6[%get3A_180] {strides = array<i32>} : memref<16384xf32, #tpu.memory_space<vmem>>, vector<16xf32>,
        %get3A_182 = vector.shape_cast %get3A_181 : vector<16xf32> to vector<16xf32>
        %mul3A_183 = arith.constant 1.14285719 : f32
        %mul3A_184 = vector.broadcast %mul3A_183 : f32 to vector<16xf32>
        %mul3A_185 = arith.mulf %get3A_182, %mul3A_184 : vector<16xf32>
        %add3A_186 = arith.constant 9.14285755 : f32
        %add3A_187 = vector.broadcast %add3A_186 : f32 to vector<16xf32>
        %add3A_188 = arith.addf %mul3A_185, %add3A_187 : vector<16xf32>
        %max3A_189 = arith.constant 0.000000e+00 : f32
        %max3A_190 = vector.broadcast %max3A_189 : f32 to vector<16xf32>
        %max3A_191 = arith.maximumf %add3A_188, %max3A_190 : vector<16xf32>
        %min3A_192 = arith.constant 1.550000e+01 : f32
        %min3A_193 = vector.broadcast %min3A_192 : f32 to vector<16xf32>
        %min3A_194 = arith.minimumf %max3A_191, %min3A_193 : vector<16xf32>
        %convert_element_type3A_195 = arith.fptosi %min3A_194 : vector<16xf32> to vector<16xi32>
        %broadcast_in_dim3A_196 = vector.shape_cast %convert_element_type3A_195 : vector<16xi32> to vector<16x1xi32>
        %gather3A_197 = vector.shape_cast %broadcast_in_dim3A_196 : vector<16x1xi32> to vector<16xi32>
        %gather3A_198 = tpu.dynamic_gather %get3A_4[%gather3A_197] in [0] : vector<16xf32>, vector<16xi32> -> vector<16xf32>
        %broadcast_in_dim3A_199 = vector.shape_cast %convert_element_type3A_195 : vector<16xi32> to vector<16x1xi32>
        %gather3A_200 = vector.shape_cast %broadcast_in_dim3A_199 : vector<16x1xi32> to vector<16xi32>
        %gather3A_201 = tpu.dynamic_gather %get3A_7[%gather3A_200] in [0] : vector<16xf32>, vector<16xi32> -> vector<16xf32>
        %mul3A_202 = arith.mulf %max3A_191, %gather3A_201 : vector<16xf32>
        %add3A_203 = arith.addf %gather3A_198, %mul3A_202 : vector<16xf32>
        %swap3A_204 = arith.index_cast %mul3A_179 : i32 to index
        %swap3A_205 = tpu.vector_load %arg8[%swap3A_204] {strides = array<i32>} : memref<16384xf32, #tpu.memory_space<vmem>>, vector<16xf32>,
        %swap3A_206 = vector.shape_cast %swap3A_205 : vector<16xf32> to vector<16xf32>
        %swap3A_207 = vector.shape_cast %add3A_203 : vector<16xf32> to vector<16xf32>
        tpu.vector_store %arg8[%swap3A_204], %swap3A_207 {strides = array<i32>} : memref<16384xf32, #tpu.memory_space<vmem>>, vector<16xf32>,
        %mul3A_208 = arith.constant 8 : i32
        %mul3A_209 = arith.muli %scan3A_75, %mul3A_208 : i32
        %add3A_210 = arith.constant 4 : i32
        %add3A_211 = arith.addi %mul3A_209, %add3A_210 : i32
        %mul3A_212 = arith.constant 16 : i32
        %mul3A_213 = arith.muli %add3A_211, %mul3A_212 : i32
        %get3A_214 = arith.index_cast %mul3A_213 : i32 to index
        %get3A_215 = tpu.vector_load %arg6[%get3A_214] {strides = array<i32>} : memref<16384xf32, #tpu.memory_space<vmem>>, vector<16xf32>,
        %get3A_216 = vector.shape_cast %get3A_215 : vector<16xf32> to vector<16xf32>
        %mul3A_217 = arith.constant 1.14285719 : f32
        %mul3A_218 = vector.broadcast %mul3A_217 : f32 to vector<16xf32>
        %mul3A_219 = arith.mulf %get3A_216, %mul3A_218 : vector<16xf32>
        %add3A_220 = arith.constant 9.14285755 : f32
        %add3A_221 = vector.broadcast %add3A_220 : f32 to vector<16xf32>
        %add3A_222 = arith.addf %mul3A_219, %add3A_221 : vector<16xf32>
        %max3A_223 = arith.constant 0.000000e+00 : f32
        %max3A_224 = vector.broadcast %max3A_223 : f32 to vector<16xf32>
        %max3A_225 = arith.maximumf %add3A_222, %max3A_224 : vector<16xf32>
        %min3A_226 = arith.constant 1.550000e+01 : f32
        %min3A_227 = vector.broadcast %min3A_226 : f32 to vector<16xf32>
        %min3A_228 = arith.minimumf %max3A_225, %min3A_227 : vector<16xf32>
        %convert_element_type3A_229 = arith.fptosi %min3A_228 : vector<16xf32> to vector<16xi32>
        %broadcast_in_dim3A_230 = vector.shape_cast %convert_element_type3A_229 : vector<16xi32> to vector<16x1xi32>
        %gather3A_231 = vector.shape_cast %broadcast_in_dim3A_230 : vector<16x1xi32> to vector<16xi32>
        %gather3A_232 = tpu.dynamic_gather %get3A_4[%gather3A_231] in [0] : vector<16xf32>, vector<16xi32> -> vector<16xf32>
        %broadcast_in_dim3A_233 = vector.shape_cast %convert_element_type3A_229 : vector<16xi32> to vector<16x1xi32>
        %gather3A_234 = vector.shape_cast %broadcast_in_dim3A_233 : vector<16x1xi32> to vector<16xi32>
        %gather3A_235 = tpu.dynamic_gather %get3A_7[%gather3A_234] in [0] : vector<16xf32>, vector<16xi32> -> vector<16xf32>
        %mul3A_236 = arith.mulf %max3A_225, %gather3A_235 : vector<16xf32>
        %add3A_237 = arith.addf %gather3A_232, %mul3A_236 : vector<16xf32>
        %swap3A_238 = arith.index_cast %mul3A_213 : i32 to index
        %swap3A_239 = tpu.vector_load %arg8[%swap3A_238] {strides = array<i32>} : memref<16384xf32, #tpu.memory_space<vmem>>, vector<16xf32>,
        %swap3A_240 = vector.shape_cast %swap3A_239 : vector<16xf32> to vector<16xf32>
        %swap3A_241 = vector.shape_cast %add3A_237 : vector<16xf32> to vector<16xf32>
        tpu.vector_store %arg8[%swap3A_238], %swap3A_241 {strides = array<i32>} : memref<16384xf32, #tpu.memory_space<vmem>>, vector<16xf32>,
        %mul3A_242 = arith.constant 8 : i32
        %mul3A_243 = arith.muli %scan3A_75, %mul3A_242 : i32
        %add3A_244 = arith.constant 5 : i32
        %add3A_245 = arith.addi %mul3A_243, %add3A_244 : i32
        %mul3A_246 = arith.constant 16 : i32
        %mul3A_247 = arith.muli %add3A_245, %mul3A_246 : i32
        %get3A_248 = arith.index_cast %mul3A_247 : i32 to index
        %get3A_249 = tpu.vector_load %arg6[%get3A_248] {strides = array<i32>} : memref<16384xf32, #tpu.memory_space<vmem>>, vector<16xf32>,
        %get3A_250 = vector.shape_cast %get3A_249 : vector<16xf32> to vector<16xf32>
        %mul3A_251 = arith.constant 1.14285719 : f32
        %mul3A_252 = vector.broadcast %mul3A_251 : f32 to vector<16xf32>
        %mul3A_253 = arith.mulf %get3A_250, %mul3A_252 : vector<16xf32>
        %add3A_254 = arith.constant 9.14285755 : f32
        %add3A_255 = vector.broadcast %add3A_254 : f32 to vector<16xf32>
        %add3A_256 = arith.addf %mul3A_253, %add3A_255 : vector<16xf32>
        %max3A_257 = arith.constant 0.000000e+00 : f32
        %max3A_258 = vector.broadcast %max3A_257 : f32 to vector<16xf32>
        %max3A_259 = arith.maximumf %add3A_256, %max3A_258 : vector<16xf32>
        %min3A_260 = arith.constant 1.550000e+01 : f32
        %min3A_261 = vector.broadcast %min3A_260 : f32 to vector<16xf32>
        %min3A_262 = arith.minimumf %max3A_259, %min3A_261 : vector<16xf32>
        %convert_element_type3A_263 = arith.fptosi %min3A_262 : vector<16xf32> to vector<16xi32>
        %broadcast_in_dim3A_264 = vector.shape_cast %convert_element_type3A_263 : vector<16xi32> to vector<16x1xi32>
        %gather3A_265 = vector.shape_cast %broadcast_in_dim3A_264 : vector<16x1xi32> to vector<16xi32>
        %gather3A_266 = tpu.dynamic_gather %get3A_4[%gather3A_265] in [0] : vector<16xf32>, vector<16xi32> -> vector<16xf32>
        %broadcast_in_dim3A_267 = vector.shape_cast %convert_element_type3A_263 : vector<16xi32> to vector<16x1xi32>
        %gather3A_268 = vector.shape_cast %broadcast_in_dim3A_267 : vector<16x1xi32> to vector<16xi32>
        %gather3A_269 = tpu.dynamic_gather %get3A_7[%gather3A_268] in [0] : vector<16xf32>, vector<16xi32> -> vector<16xf32>
        %mul3A_270 = arith.mulf %max3A_259, %gather3A_269 : vector<16xf32>
        %add3A_271 = arith.addf %gather3A_266, %mul3A_270 : vector<16xf32>
        %swap3A_272 = arith.index_cast %mul3A_247 : i32 to index
        %swap3A_273 = tpu.vector_load %arg8[%swap3A_272] {strides = array<i32>} : memref<16384xf32, #tpu.memory_space<vmem>>, vector<16xf32>,
        %swap3A_274 = vector.shape_cast %swap3A_273 : vector<16xf32> to vector<16xf32>
        %swap3A_275 = vector.shape_cast %add3A_271 : vector<16xf32> to vector<16xf32>
        tpu.vector_store %arg8[%swap3A_272], %swap3A_275 {strides = array<i32>} : memref<16384xf32, #tpu.memory_space<vmem>>, vector<16xf32>,
        %mul3A_276 = arith.constant 8 : i32
        %mul3A_277 = arith.muli %scan3A_75, %mul3A_276 : i32
        %add3A_278 = arith.constant 6 : i32
        %add3A_279 = arith.addi %mul3A_277, %add3A_278 : i32
        %mul3A_280 = arith.constant 16 : i32
        %mul3A_281 = arith.muli %add3A_279, %mul3A_280 : i32
        %get3A_282 = arith.index_cast %mul3A_281 : i32 to index
        %get3A_283 = tpu.vector_load %arg6[%get3A_282] {strides = array<i32>} : memref<16384xf32, #tpu.memory_space<vmem>>, vector<16xf32>,
        %get3A_284 = vector.shape_cast %get3A_283 : vector<16xf32> to vector<16xf32>
        %mul3A_285 = arith.constant 1.14285719 : f32
        %mul3A_286 = vector.broadcast %mul3A_285 : f32 to vector<16xf32>
        %mul3A_287 = arith.mulf %get3A_284, %mul3A_286 : vector<16xf32>
        %add3A_288 = arith.constant 9.14285755 : f32
        %add3A_289 = vector.broadcast %add3A_288 : f32 to vector<16xf32>
        %add3A_290 = arith.addf %mul3A_287, %add3A_289 : vector<16xf32>
        %max3A_291 = arith.constant 0.000000e+00 : f32
        %max3A_292 = vector.broadcast %max3A_291 : f32 to vector<16xf32>
        %max3A_293 = arith.maximumf %add3A_290, %max3A_292 : vector<16xf32>
        %min3A_294 = arith.constant 1.550000e+01 : f32
        %min3A_295 = vector.broadcast %min3A_294 : f32 to vector<16xf32>
        %min3A_296 = arith.minimumf %max3A_293, %min3A_295 : vector<16xf32>
        %convert_element_type3A_297 = arith.fptosi %min3A_296 : vector<16xf32> to vector<16xi32>
        %broadcast_in_dim3A_298 = vector.shape_cast %convert_element_type3A_297 : vector<16xi32> to vector<16x1xi32>
        %gather3A_299 = vector.shape_cast %broadcast_in_dim3A_298 : vector<16x1xi32> to vector<16xi32>
        %gather3A_300 = tpu.dynamic_gather %get3A_4[%gather3A_299] in [0] : vector<16xf32>, vector<16xi32> -> vector<16xf32>
        %broadcast_in_dim3A_301 = vector.shape_cast %convert_element_type3A_297 : vector<16xi32> to vector<16x1xi32>
        %gather3A_302 = vector.shape_cast %broadcast_in_dim3A_301 : vector<16x1xi32> to vector<16xi32>
        %gather3A_303 = tpu.dynamic_gather %get3A_7[%gather3A_302] in [0] : vector<16xf32>, vector<16xi32> -> vector<16xf32>
        %mul3A_304 = arith.mulf %max3A_293, %gather3A_303 : vector<16xf32>
        %add3A_305 = arith.addf %gather3A_300, %mul3A_304 : vector<16xf32>
        %swap3A_306 = arith.index_cast %mul3A_281 : i32 to index
        %swap3A_307 = tpu.vector_load %arg8[%swap3A_306] {strides = array<i32>} : memref<16384xf32, #tpu.memory_space<vmem>>, vector<16xf32>,
        %swap3A_308 = vector.shape_cast %swap3A_307 : vector<16xf32> to vector<16xf32>
        %swap3A_309 = vector.shape_cast %add3A_305 : vector<16xf32> to vector<16xf32>
        tpu.vector_store %arg8[%swap3A_306], %swap3A_309 {strides = array<i32>} : memref<16384xf32, #tpu.memory_space<vmem>>, vector<16xf32>,
        %mul3A_310 = arith.constant 8 : i32
        %mul3A_311 = arith.muli %scan3A_75, %mul3A_310 : i32
        %add3A_312 = arith.constant 7 : i32
        %add3A_313 = arith.addi %mul3A_311, %add3A_312 : i32
        %mul3A_314 = arith.constant 16 : i32
        %mul3A_315 = arith.muli %add3A_313, %mul3A_314 : i32
        %get3A_316 = arith.index_cast %mul3A_315 : i32 to index
        %get3A_317 = tpu.vector_load %arg6[%get3A_316] {strides = array<i32>} : memref<16384xf32, #tpu.memory_space<vmem>>, vector<16xf32>,
        %get3A_318 = vector.shape_cast %get3A_317 : vector<16xf32> to vector<16xf32>
        %mul3A_319 = arith.constant 1.14285719 : f32
        %mul3A_320 = vector.broadcast %mul3A_319 : f32 to vector<16xf32>
        %mul3A_321 = arith.mulf %get3A_318, %mul3A_320 : vector<16xf32>
        %add3A_322 = arith.constant 9.14285755 : f32
        %add3A_323 = vector.broadcast %add3A_322 : f32 to vector<16xf32>
        %add3A_324 = arith.addf %mul3A_321, %add3A_323 : vector<16xf32>
        %max3A_325 = arith.constant 0.000000e+00 : f32
        %max3A_326 = vector.broadcast %max3A_325 : f32 to vector<16xf32>
        %max3A_327 = arith.maximumf %add3A_324, %max3A_326 : vector<16xf32>
        %min3A_328 = arith.constant 1.550000e+01 : f32
        %min3A_329 = vector.broadcast %min3A_328 : f32 to vector<16xf32>
        %min3A_330 = arith.minimumf %max3A_327, %min3A_329 : vector<16xf32>
        %convert_element_type3A_331 = arith.fptosi %min3A_330 : vector<16xf32> to vector<16xi32>
        %broadcast_in_dim3A_332 = vector.shape_cast %convert_element_type3A_331 : vector<16xi32> to vector<16x1xi32>
        %gather3A_333 = vector.shape_cast %broadcast_in_dim3A_332 : vector<16x1xi32> to vector<16xi32>
        %gather3A_334 = tpu.dynamic_gather %get3A_4[%gather3A_333] in [0] : vector<16xf32>, vector<16xi32> -> vector<16xf32>
        %broadcast_in_dim3A_335 = vector.shape_cast %convert_element_type3A_331 : vector<16xi32> to vector<16x1xi32>
        %gather3A_336 = vector.shape_cast %broadcast_in_dim3A_335 : vector<16x1xi32> to vector<16xi32>
        %gather3A_337 = tpu.dynamic_gather %get3A_7[%gather3A_336] in [0] : vector<16xf32>, vector<16xi32> -> vector<16xf32>
        %mul3A_338 = arith.mulf %max3A_327, %gather3A_337 : vector<16xf32>
        %add3A_339 = arith.addf %gather3A_334, %mul3A_338 : vector<16xf32>
        %swap3A_340 = arith.index_cast %mul3A_315 : i32 to index
        %swap3A_341 = tpu.vector_load %arg8[%swap3A_340] {strides = array<i32>} : memref<16384xf32, #tpu.memory_space<vmem>>, vector<16xf32>,
        %swap3A_342 = vector.shape_cast %swap3A_341 : vector<16xf32> to vector<16xf32>
        %swap3A_343 = vector.shape_cast %add3A_339 : vector<16xf32> to vector<16xf32>
        tpu.vector_store %arg8[%swap3A_340], %swap3A_343 {strides = array<i32>} : memref<16384xf32, #tpu.memory_space<vmem>>, vector<16xf32>,
        %scan3A_344 = arith.constant 0 : i32
        scf.yield %scan3A_344 : i32
      }
      %scan3A_41 = arith.constant 128 : i32
      %mul3A_42 = arith.constant 16384 : i32
      %mul3A_43 = arith.muli %add3A_23, %mul3A_42 : i32
      %add3A_44 = arith.addi %mul3A_2, %mul3A_43 : i32
      %dma_start3A_45 = tpu.memref_slice %arg5[%add3A_44] : memref<16777216xf32, #tpu.memory_space<hbm>> -> memref<16384xf32, #tpu.memory_space<hbm>>
      %dma_start3A_46 = tpu.memref_slice %arg5[%add3A_44] : memref<16777216xf32, #tpu.memory_space<hbm>> -> memref<16384xf32, #tpu.memory_space<hbm>>
      tpu.enqueue_dma source(%arg8 : memref<16384xf32, #tpu.memory_space<vmem>>) target(%dma_start3A_46 : memref<16384xf32, #tpu.memory_space<hbm>>) target_semaphore(%arg14 : memref<!tpu.dma_semaphore, #tpu.memory_space<semaphore_mem>>)
      %add3A_47 = arith.constant 1 : i32
      %add3A_48 = arith.addi %mul3A_21, %add3A_47 : i32
      %add3A_49 = arith.constant 1 : i32
      %add3A_50 = arith.addi %add3A_48, %add3A_49 : i32
      %lt3A = arith.constant 32 : i32
      %lt3A_51 = arith.cmpi slt, %add3A_50, %lt3A : i32
      %convert_element_type3A_52 = arith.extui %lt3A_51 : i1 to i32
      %cond3A_53 = arith.constant 0 : i32
      %cond3A_54 = arith.cmpi ne, %convert_element_type3A_52, %cond3A_53 : i32
      scf.if %cond3A_54 {
        %mul3A_75 = arith.constant 16384 : i32
        %mul3A_76 = arith.muli %add3A_50, %mul3A_75 : i32
        %add3A_77 = arith.addi %mul3A_2, %mul3A_76 : i32
        %dma_start3A_78 = tpu.memref_slice %arg2[%add3A_77] : memref<16777216xf32, #tpu.memory_space<hbm>> -> memref<16384xf32, #tpu.memory_space<hbm>>
        %dma_start3A_79 = tpu.memref_slice %arg2[%add3A_77] : memref<16777216xf32, #tpu.memory_space<hbm>> -> memref<16384xf32, #tpu.memory_space<hbm>>
        tpu.enqueue_dma source(%dma_start3A_79 : memref<16384xf32, #tpu.memory_space<hbm>>) target(%arg6 : memref<16384xf32, #tpu.memory_space<vmem>>) target_semaphore(%arg12 : memref<!tpu.dma_semaphore, #tpu.memory_space<semaphore_mem>>)
      } else {
      }
      %dma_wait3A_55 = tpu.memref_slice %arg2[%mul3A_2] : memref<16777216xf32, #tpu.memory_space<hbm>> -> memref<16384xf32, #tpu.memory_space<hbm>>
      %dma_wait3A_56 = tpu.memref_slice %arg2[%mul3A_2] : memref<16777216xf32, #tpu.memory_space<hbm>> -> memref<16384xf32, #tpu.memory_space<hbm>>
      tpu.wait_dma2 semaphore(%arg13 : memref<!tpu.dma_semaphore, #tpu.memory_space<semaphore_mem>>) src(%dma_wait3A_56 : memref<16384xf32, #tpu.memory_space<hbm>>) dst(%arg7 : memref<16384xf32, #tpu.memory_space<vmem>>)
      %ge3A_57 = arith.constant 2 : i32
      %ge3A_58 = arith.cmpi sge, %add3A_48, %ge3A_57 : i32
      %convert_element_type3A_59 = arith.extui %ge3A_58 : i1 to i32
      %cond3A_60 = arith.constant 0 : i32
      %cond3A_61 = arith.cmpi ne, %convert_element_type3A_59, %cond3A_60 : i32
      scf.if %cond3A_61 {
        %dma_wait3A_75 = tpu.memref_slice %arg5[%mul3A_2] : memref<16777216xf32, #tpu.memory_space<hbm>> -> memref<16384xf32, #tpu.memory_space<hbm>>
        %dma_wait3A_76 = tpu.memref_slice %arg5[%mul3A_2] : memref<16777216xf32, #tpu.memory_space<hbm>> -> memref<16384xf32, #tpu.memory_space<hbm>>
        tpu.wait_dma2 semaphore(%arg15 : memref<!tpu.dma_semaphore, #tpu.memory_space<semaphore_mem>>) src(%arg9 : memref<16384xf32, #tpu.memory_space<vmem>>) dst(%dma_wait3A_76 : memref<16384xf32, #tpu.memory_space<hbm>>)
      } else {
      }
      %scan3A_62 = arith.constant 0 : i32
      %scan3A_63 = arith.constant 0 : i32
      %scan3A_64 = arith.constant 128 : i32
      %scan3A_65 = arith.addi %scan3A_63, %scan3A_64 : i32
      %scan3A_66 = arith.constant 1 : i32
      %scan3A_67 = scf.for %scan3A_75 = %scan3A_63 to %scan3A_65 step %scan3A_66 iter_args(%scan3A_76 = %scan3A_62) -> (i32)  : i32 {
        %mul3A_77 = arith.constant 8 : i32
        %mul3A_78 = arith.muli %scan3A_75, %mul3A_77 : i32
        %add3A_79 = arith.constant 0 : i32
        %add3A_80 = arith.addi %mul3A_78, %add3A_79 : i32
        %mul3A_81 = arith.constant 16 : i32
        %mul3A_82 = arith.muli %add3A_80, %mul3A_81 : i32
        %get3A_83 = arith.index_cast %mul3A_82 : i32 to index
        %get3A_84 = tpu.vector_load %arg7[%get3A_83] {strides = array<i32>} : memref<16384xf32, #tpu.memory_space<vmem>>, vector<16xf32>,
        %get3A_85 = vector.shape_cast %get3A_84 : vector<16xf32> to vector<16xf32>
        %mul3A_86 = arith.constant 1.14285719 : f32
        %mul3A_87 = vector.broadcast %mul3A_86 : f32 to vector<16xf32>
        %mul3A_88 = arith.mulf %get3A_85, %mul3A_87 : vector<16xf32>
        %add3A_89 = arith.constant 9.14285755 : f32
        %add3A_90 = vector.broadcast %add3A_89 : f32 to vector<16xf32>
        %add3A_91 = arith.addf %mul3A_88, %add3A_90 : vector<16xf32>
        %max3A = arith.constant 0.000000e+00 : f32
        %max3A_92 = vector.broadcast %max3A : f32 to vector<16xf32>
        %max3A_93 = arith.maximumf %add3A_91, %max3A_92 : vector<16xf32>
        %min3A = arith.constant 1.550000e+01 : f32
        %min3A_94 = vector.broadcast %min3A : f32 to vector<16xf32>
        %min3A_95 = arith.minimumf %max3A_93, %min3A_94 : vector<16xf32>
        %convert_element_type3A_96 = arith.fptosi %min3A_95 : vector<16xf32> to vector<16xi32>
        %broadcast_in_dim3A = vector.shape_cast %convert_element_type3A_96 : vector<16xi32> to vector<16x1xi32>
        %gather3A = vector.shape_cast %broadcast_in_dim3A : vector<16x1xi32> to vector<16xi32>
        %gather3A_97 = tpu.dynamic_gather %get3A_4[%gather3A] in [0] : vector<16xf32>, vector<16xi32> -> vector<16xf32>
        %broadcast_in_dim3A_98 = vector.shape_cast %convert_element_type3A_96 : vector<16xi32> to vector<16x1xi32>
        %gather3A_99 = vector.shape_cast %broadcast_in_dim3A_98 : vector<16x1xi32> to vector<16xi32>
        %gather3A_100 = tpu.dynamic_gather %get3A_7[%gather3A_99] in [0] : vector<16xf32>, vector<16xi32> -> vector<16xf32>
        %mul3A_101 = arith.mulf %max3A_93, %gather3A_100 : vector<16xf32>
        %add3A_102 = arith.addf %gather3A_97, %mul3A_101 : vector<16xf32>
        %swap3A = arith.index_cast %mul3A_82 : i32 to index
        %swap3A_103 = tpu.vector_load %arg9[%swap3A] {strides = array<i32>} : memref<16384xf32, #tpu.memory_space<vmem>>, vector<16xf32>,
        %swap3A_104 = vector.shape_cast %swap3A_103 : vector<16xf32> to vector<16xf32>
        %swap3A_105 = vector.shape_cast %add3A_102 : vector<16xf32> to vector<16xf32>
        tpu.vector_store %arg9[%swap3A], %swap3A_105 {strides = array<i32>} : memref<16384xf32, #tpu.memory_space<vmem>>, vector<16xf32>,
        %mul3A_106 = arith.constant 8 : i32
        %mul3A_107 = arith.muli %scan3A_75, %mul3A_106 : i32
        %add3A_108 = arith.constant 1 : i32
        %add3A_109 = arith.addi %mul3A_107, %add3A_108 : i32
        %mul3A_110 = arith.constant 16 : i32
        %mul3A_111 = arith.muli %add3A_109, %mul3A_110 : i32
        %get3A_112 = arith.index_cast %mul3A_111 : i32 to index
        %get3A_113 = tpu.vector_load %arg7[%get3A_112] {strides = array<i32>} : memref<16384xf32, #tpu.memory_space<vmem>>, vector<16xf32>,
        %get3A_114 = vector.shape_cast %get3A_113 : vector<16xf32> to vector<16xf32>
        %mul3A_115 = arith.constant 1.14285719 : f32
        %mul3A_116 = vector.broadcast %mul3A_115 : f32 to vector<16xf32>
        %mul3A_117 = arith.mulf %get3A_114, %mul3A_116 : vector<16xf32>
        %add3A_118 = arith.constant 9.14285755 : f32
        %add3A_119 = vector.broadcast %add3A_118 : f32 to vector<16xf32>
        %add3A_120 = arith.addf %mul3A_117, %add3A_119 : vector<16xf32>
        %max3A_121 = arith.constant 0.000000e+00 : f32
        %max3A_122 = vector.broadcast %max3A_121 : f32 to vector<16xf32>
        %max3A_123 = arith.maximumf %add3A_120, %max3A_122 : vector<16xf32>
        %min3A_124 = arith.constant 1.550000e+01 : f32
        %min3A_125 = vector.broadcast %min3A_124 : f32 to vector<16xf32>
        %min3A_126 = arith.minimumf %max3A_123, %min3A_125 : vector<16xf32>
        %convert_element_type3A_127 = arith.fptosi %min3A_126 : vector<16xf32> to vector<16xi32>
        %broadcast_in_dim3A_128 = vector.shape_cast %convert_element_type3A_127 : vector<16xi32> to vector<16x1xi32>
        %gather3A_129 = vector.shape_cast %broadcast_in_dim3A_128 : vector<16x1xi32> to vector<16xi32>
        %gather3A_130 = tpu.dynamic_gather %get3A_4[%gather3A_129] in [0] : vector<16xf32>, vector<16xi32> -> vector<16xf32>
        %broadcast_in_dim3A_131 = vector.shape_cast %convert_element_type3A_127 : vector<16xi32> to vector<16x1xi32>
        %gather3A_132 = vector.shape_cast %broadcast_in_dim3A_131 : vector<16x1xi32> to vector<16xi32>
        %gather3A_133 = tpu.dynamic_gather %get3A_7[%gather3A_132] in [0] : vector<16xf32>, vector<16xi32> -> vector<16xf32>
        %mul3A_134 = arith.mulf %max3A_123, %gather3A_133 : vector<16xf32>
        %add3A_135 = arith.addf %gather3A_130, %mul3A_134 : vector<16xf32>
        %swap3A_136 = arith.index_cast %mul3A_111 : i32 to index
        %swap3A_137 = tpu.vector_load %arg9[%swap3A_136] {strides = array<i32>} : memref<16384xf32, #tpu.memory_space<vmem>>, vector<16xf32>,
        %swap3A_138 = vector.shape_cast %swap3A_137 : vector<16xf32> to vector<16xf32>
        %swap3A_139 = vector.shape_cast %add3A_135 : vector<16xf32> to vector<16xf32>
        tpu.vector_store %arg9[%swap3A_136], %swap3A_139 {strides = array<i32>} : memref<16384xf32, #tpu.memory_space<vmem>>, vector<16xf32>,
        %mul3A_140 = arith.constant 8 : i32
        %mul3A_141 = arith.muli %scan3A_75, %mul3A_140 : i32
        %add3A_142 = arith.constant 2 : i32
        %add3A_143 = arith.addi %mul3A_141, %add3A_142 : i32
        %mul3A_144 = arith.constant 16 : i32
        %mul3A_145 = arith.muli %add3A_143, %mul3A_144 : i32
        %get3A_146 = arith.index_cast %mul3A_145 : i32 to index
        %get3A_147 = tpu.vector_load %arg7[%get3A_146] {strides = array<i32>} : memref<16384xf32, #tpu.memory_space<vmem>>, vector<16xf32>,
        %get3A_148 = vector.shape_cast %get3A_147 : vector<16xf32> to vector<16xf32>
        %mul3A_149 = arith.constant 1.14285719 : f32
        %mul3A_150 = vector.broadcast %mul3A_149 : f32 to vector<16xf32>
        %mul3A_151 = arith.mulf %get3A_148, %mul3A_150 : vector<16xf32>
        %add3A_152 = arith.constant 9.14285755 : f32
        %add3A_153 = vector.broadcast %add3A_152 : f32 to vector<16xf32>
        %add3A_154 = arith.addf %mul3A_151, %add3A_153 : vector<16xf32>
        %max3A_155 = arith.constant 0.000000e+00 : f32
        %max3A_156 = vector.broadcast %max3A_155 : f32 to vector<16xf32>
        %max3A_157 = arith.maximumf %add3A_154, %max3A_156 : vector<16xf32>
        %min3A_158 = arith.constant 1.550000e+01 : f32
        %min3A_159 = vector.broadcast %min3A_158 : f32 to vector<16xf32>
        %min3A_160 = arith.minimumf %max3A_157, %min3A_159 : vector<16xf32>
        %convert_element_type3A_161 = arith.fptosi %min3A_160 : vector<16xf32> to vector<16xi32>
        %broadcast_in_dim3A_162 = vector.shape_cast %convert_element_type3A_161 : vector<16xi32> to vector<16x1xi32>
        %gather3A_163 = vector.shape_cast %broadcast_in_dim3A_162 : vector<16x1xi32> to vector<16xi32>
        %gather3A_164 = tpu.dynamic_gather %get3A_4[%gather3A_163] in [0] : vector<16xf32>, vector<16xi32> -> vector<16xf32>
        %broadcast_in_dim3A_165 = vector.shape_cast %convert_element_type3A_161 : vector<16xi32> to vector<16x1xi32>
        %gather3A_166 = vector.shape_cast %broadcast_in_dim3A_165 : vector<16x1xi32> to vector<16xi32>
        %gather3A_167 = tpu.dynamic_gather %get3A_7[%gather3A_166] in [0] : vector<16xf32>, vector<16xi32> -> vector<16xf32>
        %mul3A_168 = arith.mulf %max3A_157, %gather3A_167 : vector<16xf32>
        %add3A_169 = arith.addf %gather3A_164, %mul3A_168 : vector<16xf32>
        %swap3A_170 = arith.index_cast %mul3A_145 : i32 to index
        %swap3A_171 = tpu.vector_load %arg9[%swap3A_170] {strides = array<i32>} : memref<16384xf32, #tpu.memory_space<vmem>>, vector<16xf32>,
        %swap3A_172 = vector.shape_cast %swap3A_171 : vector<16xf32> to vector<16xf32>
        %swap3A_173 = vector.shape_cast %add3A_169 : vector<16xf32> to vector<16xf32>
        tpu.vector_store %arg9[%swap3A_170], %swap3A_173 {strides = array<i32>} : memref<16384xf32, #tpu.memory_space<vmem>>, vector<16xf32>,
        %mul3A_174 = arith.constant 8 : i32
        %mul3A_175 = arith.muli %scan3A_75, %mul3A_174 : i32
        %add3A_176 = arith.constant 3 : i32
        %add3A_177 = arith.addi %mul3A_175, %add3A_176 : i32
        %mul3A_178 = arith.constant 16 : i32
        %mul3A_179 = arith.muli %add3A_177, %mul3A_178 : i32
        %get3A_180 = arith.index_cast %mul3A_179 : i32 to index
        %get3A_181 = tpu.vector_load %arg7[%get3A_180] {strides = array<i32>} : memref<16384xf32, #tpu.memory_space<vmem>>, vector<16xf32>,
        %get3A_182 = vector.shape_cast %get3A_181 : vector<16xf32> to vector<16xf32>
        %mul3A_183 = arith.constant 1.14285719 : f32
        %mul3A_184 = vector.broadcast %mul3A_183 : f32 to vector<16xf32>
        %mul3A_185 = arith.mulf %get3A_182, %mul3A_184 : vector<16xf32>
        %add3A_186 = arith.constant 9.14285755 : f32
        %add3A_187 = vector.broadcast %add3A_186 : f32 to vector<16xf32>
        %add3A_188 = arith.addf %mul3A_185, %add3A_187 : vector<16xf32>
        %max3A_189 = arith.constant 0.000000e+00 : f32
        %max3A_190 = vector.broadcast %max3A_189 : f32 to vector<16xf32>
        %max3A_191 = arith.maximumf %add3A_188, %max3A_190 : vector<16xf32>
        %min3A_192 = arith.constant 1.550000e+01 : f32
        %min3A_193 = vector.broadcast %min3A_192 : f32 to vector<16xf32>
        %min3A_194 = arith.minimumf %max3A_191, %min3A_193 : vector<16xf32>
        %convert_element_type3A_195 = arith.fptosi %min3A_194 : vector<16xf32> to vector<16xi32>
        %broadcast_in_dim3A_196 = vector.shape_cast %convert_element_type3A_195 : vector<16xi32> to vector<16x1xi32>
        %gather3A_197 = vector.shape_cast %broadcast_in_dim3A_196 : vector<16x1xi32> to vector<16xi32>
        %gather3A_198 = tpu.dynamic_gather %get3A_4[%gather3A_197] in [0] : vector<16xf32>, vector<16xi32> -> vector<16xf32>
        %broadcast_in_dim3A_199 = vector.shape_cast %convert_element_type3A_195 : vector<16xi32> to vector<16x1xi32>
        %gather3A_200 = vector.shape_cast %broadcast_in_dim3A_199 : vector<16x1xi32> to vector<16xi32>
        %gather3A_201 = tpu.dynamic_gather %get3A_7[%gather3A_200] in [0] : vector<16xf32>, vector<16xi32> -> vector<16xf32>
        %mul3A_202 = arith.mulf %max3A_191, %gather3A_201 : vector<16xf32>
        %add3A_203 = arith.addf %gather3A_198, %mul3A_202 : vector<16xf32>
        %swap3A_204 = arith.index_cast %mul3A_179 : i32 to index
        %swap3A_205 = tpu.vector_load %arg9[%swap3A_204] {strides = array<i32>} : memref<16384xf32, #tpu.memory_space<vmem>>, vector<16xf32>,
        %swap3A_206 = vector.shape_cast %swap3A_205 : vector<16xf32> to vector<16xf32>
        %swap3A_207 = vector.shape_cast %add3A_203 : vector<16xf32> to vector<16xf32>
        tpu.vector_store %arg9[%swap3A_204], %swap3A_207 {strides = array<i32>} : memref<16384xf32, #tpu.memory_space<vmem>>, vector<16xf32>,
        %mul3A_208 = arith.constant 8 : i32
        %mul3A_209 = arith.muli %scan3A_75, %mul3A_208 : i32
        %add3A_210 = arith.constant 4 : i32
        %add3A_211 = arith.addi %mul3A_209, %add3A_210 : i32
        %mul3A_212 = arith.constant 16 : i32
        %mul3A_213 = arith.muli %add3A_211, %mul3A_212 : i32
        %get3A_214 = arith.index_cast %mul3A_213 : i32 to index
        %get3A_215 = tpu.vector_load %arg7[%get3A_214] {strides = array<i32>} : memref<16384xf32, #tpu.memory_space<vmem>>, vector<16xf32>,
        %get3A_216 = vector.shape_cast %get3A_215 : vector<16xf32> to vector<16xf32>
        %mul3A_217 = arith.constant 1.14285719 : f32
        %mul3A_218 = vector.broadcast %mul3A_217 : f32 to vector<16xf32>
        %mul3A_219 = arith.mulf %get3A_216, %mul3A_218 : vector<16xf32>
        %add3A_220 = arith.constant 9.14285755 : f32
        %add3A_221 = vector.broadcast %add3A_220 : f32 to vector<16xf32>
        %add3A_222 = arith.addf %mul3A_219, %add3A_221 : vector<16xf32>
        %max3A_223 = arith.constant 0.000000e+00 : f32
        %max3A_224 = vector.broadcast %max3A_223 : f32 to vector<16xf32>
        %max3A_225 = arith.maximumf %add3A_222, %max3A_224 : vector<16xf32>
        %min3A_226 = arith.constant 1.550000e+01 : f32
        %min3A_227 = vector.broadcast %min3A_226 : f32 to vector<16xf32>
        %min3A_228 = arith.minimumf %max3A_225, %min3A_227 : vector<16xf32>
        %convert_element_type3A_229 = arith.fptosi %min3A_228 : vector<16xf32> to vector<16xi32>
        %broadcast_in_dim3A_230 = vector.shape_cast %convert_element_type3A_229 : vector<16xi32> to vector<16x1xi32>
        %gather3A_231 = vector.shape_cast %broadcast_in_dim3A_230 : vector<16x1xi32> to vector<16xi32>
        %gather3A_232 = tpu.dynamic_gather %get3A_4[%gather3A_231] in [0] : vector<16xf32>, vector<16xi32> -> vector<16xf32>
        %broadcast_in_dim3A_233 = vector.shape_cast %convert_element_type3A_229 : vector<16xi32> to vector<16x1xi32>
        %gather3A_234 = vector.shape_cast %broadcast_in_dim3A_233 : vector<16x1xi32> to vector<16xi32>
        %gather3A_235 = tpu.dynamic_gather %get3A_7[%gather3A_234] in [0] : vector<16xf32>, vector<16xi32> -> vector<16xf32>
        %mul3A_236 = arith.mulf %max3A_225, %gather3A_235 : vector<16xf32>
        %add3A_237 = arith.addf %gather3A_232, %mul3A_236 : vector<16xf32>
        %swap3A_238 = arith.index_cast %mul3A_213 : i32 to index
        %swap3A_239 = tpu.vector_load %arg9[%swap3A_238] {strides = array<i32>} : memref<16384xf32, #tpu.memory_space<vmem>>, vector<16xf32>,
        %swap3A_240 = vector.shape_cast %swap3A_239 : vector<16xf32> to vector<16xf32>
        %swap3A_241 = vector.shape_cast %add3A_237 : vector<16xf32> to vector<16xf32>
        tpu.vector_store %arg9[%swap3A_238], %swap3A_241 {strides = array<i32>} : memref<16384xf32, #tpu.memory_space<vmem>>, vector<16xf32>,
        %mul3A_242 = arith.constant 8 : i32
        %mul3A_243 = arith.muli %scan3A_75, %mul3A_242 : i32
        %add3A_244 = arith.constant 5 : i32
        %add3A_245 = arith.addi %mul3A_243, %add3A_244 : i32
        %mul3A_246 = arith.constant 16 : i32
        %mul3A_247 = arith.muli %add3A_245, %mul3A_246 : i32
        %get3A_248 = arith.index_cast %mul3A_247 : i32 to index
        %get3A_249 = tpu.vector_load %arg7[%get3A_248] {strides = array<i32>} : memref<16384xf32, #tpu.memory_space<vmem>>, vector<16xf32>,
        %get3A_250 = vector.shape_cast %get3A_249 : vector<16xf32> to vector<16xf32>
        %mul3A_251 = arith.constant 1.14285719 : f32
        %mul3A_252 = vector.broadcast %mul3A_251 : f32 to vector<16xf32>
        %mul3A_253 = arith.mulf %get3A_250, %mul3A_252 : vector<16xf32>
        %add3A_254 = arith.constant 9.14285755 : f32
        %add3A_255 = vector.broadcast %add3A_254 : f32 to vector<16xf32>
        %add3A_256 = arith.addf %mul3A_253, %add3A_255 : vector<16xf32>
        %max3A_257 = arith.constant 0.000000e+00 : f32
        %max3A_258 = vector.broadcast %max3A_257 : f32 to vector<16xf32>
        %max3A_259 = arith.maximumf %add3A_256, %max3A_258 : vector<16xf32>
        %min3A_260 = arith.constant 1.550000e+01 : f32
        %min3A_261 = vector.broadcast %min3A_260 : f32 to vector<16xf32>
        %min3A_262 = arith.minimumf %max3A_259, %min3A_261 : vector<16xf32>
        %convert_element_type3A_263 = arith.fptosi %min3A_262 : vector<16xf32> to vector<16xi32>
        %broadcast_in_dim3A_264 = vector.shape_cast %convert_element_type3A_263 : vector<16xi32> to vector<16x1xi32>
        %gather3A_265 = vector.shape_cast %broadcast_in_dim3A_264 : vector<16x1xi32> to vector<16xi32>
        %gather3A_266 = tpu.dynamic_gather %get3A_4[%gather3A_265] in [0] : vector<16xf32>, vector<16xi32> -> vector<16xf32>
        %broadcast_in_dim3A_267 = vector.shape_cast %convert_element_type3A_263 : vector<16xi32> to vector<16x1xi32>
        %gather3A_268 = vector.shape_cast %broadcast_in_dim3A_267 : vector<16x1xi32> to vector<16xi32>
        %gather3A_269 = tpu.dynamic_gather %get3A_7[%gather3A_268] in [0] : vector<16xf32>, vector<16xi32> -> vector<16xf32>
        %mul3A_270 = arith.mulf %max3A_259, %gather3A_269 : vector<16xf32>
        %add3A_271 = arith.addf %gather3A_266, %mul3A_270 : vector<16xf32>
        %swap3A_272 = arith.index_cast %mul3A_247 : i32 to index
        %swap3A_273 = tpu.vector_load %arg9[%swap3A_272] {strides = array<i32>} : memref<16384xf32, #tpu.memory_space<vmem>>, vector<16xf32>,
        %swap3A_274 = vector.shape_cast %swap3A_273 : vector<16xf32> to vector<16xf32>
        %swap3A_275 = vector.shape_cast %add3A_271 : vector<16xf32> to vector<16xf32>
        tpu.vector_store %arg9[%swap3A_272], %swap3A_275 {strides = array<i32>} : memref<16384xf32, #tpu.memory_space<vmem>>, vector<16xf32>,
        %mul3A_276 = arith.constant 8 : i32
        %mul3A_277 = arith.muli %scan3A_75, %mul3A_276 : i32
        %add3A_278 = arith.constant 6 : i32
        %add3A_279 = arith.addi %mul3A_277, %add3A_278 : i32
        %mul3A_280 = arith.constant 16 : i32
        %mul3A_281 = arith.muli %add3A_279, %mul3A_280 : i32
        %get3A_282 = arith.index_cast %mul3A_281 : i32 to index
        %get3A_283 = tpu.vector_load %arg7[%get3A_282] {strides = array<i32>} : memref<16384xf32, #tpu.memory_space<vmem>>, vector<16xf32>,
        %get3A_284 = vector.shape_cast %get3A_283 : vector<16xf32> to vector<16xf32>
        %mul3A_285 = arith.constant 1.14285719 : f32
        %mul3A_286 = vector.broadcast %mul3A_285 : f32 to vector<16xf32>
        %mul3A_287 = arith.mulf %get3A_284, %mul3A_286 : vector<16xf32>
        %add3A_288 = arith.constant 9.14285755 : f32
        %add3A_289 = vector.broadcast %add3A_288 : f32 to vector<16xf32>
        %add3A_290 = arith.addf %mul3A_287, %add3A_289 : vector<16xf32>
        %max3A_291 = arith.constant 0.000000e+00 : f32
        %max3A_292 = vector.broadcast %max3A_291 : f32 to vector<16xf32>
        %max3A_293 = arith.maximumf %add3A_290, %max3A_292 : vector<16xf32>
        %min3A_294 = arith.constant 1.550000e+01 : f32
        %min3A_295 = vector.broadcast %min3A_294 : f32 to vector<16xf32>
        %min3A_296 = arith.minimumf %max3A_293, %min3A_295 : vector<16xf32>
        %convert_element_type3A_297 = arith.fptosi %min3A_296 : vector<16xf32> to vector<16xi32>
        %broadcast_in_dim3A_298 = vector.shape_cast %convert_element_type3A_297 : vector<16xi32> to vector<16x1xi32>
        %gather3A_299 = vector.shape_cast %broadcast_in_dim3A_298 : vector<16x1xi32> to vector<16xi32>
        %gather3A_300 = tpu.dynamic_gather %get3A_4[%gather3A_299] in [0] : vector<16xf32>, vector<16xi32> -> vector<16xf32>
        %broadcast_in_dim3A_301 = vector.shape_cast %convert_element_type3A_297 : vector<16xi32> to vector<16x1xi32>
        %gather3A_302 = vector.shape_cast %broadcast_in_dim3A_301 : vector<16x1xi32> to vector<16xi32>
        %gather3A_303 = tpu.dynamic_gather %get3A_7[%gather3A_302] in [0] : vector<16xf32>, vector<16xi32> -> vector<16xf32>
        %mul3A_304 = arith.mulf %max3A_293, %gather3A_303 : vector<16xf32>
        %add3A_305 = arith.addf %gather3A_300, %mul3A_304 : vector<16xf32>
        %swap3A_306 = arith.index_cast %mul3A_281 : i32 to index
        %swap3A_307 = tpu.vector_load %arg9[%swap3A_306] {strides = array<i32>} : memref<16384xf32, #tpu.memory_space<vmem>>, vector<16xf32>,
        %swap3A_308 = vector.shape_cast %swap3A_307 : vector<16xf32> to vector<16xf32>
        %swap3A_309 = vector.shape_cast %add3A_305 : vector<16xf32> to vector<16xf32>
        tpu.vector_store %arg9[%swap3A_306], %swap3A_309 {strides = array<i32>} : memref<16384xf32, #tpu.memory_space<vmem>>, vector<16xf32>,
        %mul3A_310 = arith.constant 8 : i32
        %mul3A_311 = arith.muli %scan3A_75, %mul3A_310 : i32
        %add3A_312 = arith.constant 7 : i32
        %add3A_313 = arith.addi %mul3A_311, %add3A_312 : i32
        %mul3A_314 = arith.constant 16 : i32
        %mul3A_315 = arith.muli %add3A_313, %mul3A_314 : i32
        %get3A_316 = arith.index_cast %mul3A_315 : i32 to index
        %get3A_317 = tpu.vector_load %arg7[%get3A_316] {strides = array<i32>} : memref<16384xf32, #tpu.memory_space<vmem>>, vector<16xf32>,
        %get3A_318 = vector.shape_cast %get3A_317 : vector<16xf32> to vector<16xf32>
        %mul3A_319 = arith.constant 1.14285719 : f32
        %mul3A_320 = vector.broadcast %mul3A_319 : f32 to vector<16xf32>
        %mul3A_321 = arith.mulf %get3A_318, %mul3A_320 : vector<16xf32>
        %add3A_322 = arith.constant 9.14285755 : f32
        %add3A_323 = vector.broadcast %add3A_322 : f32 to vector<16xf32>
        %add3A_324 = arith.addf %mul3A_321, %add3A_323 : vector<16xf32>
        %max3A_325 = arith.constant 0.000000e+00 : f32
        %max3A_326 = vector.broadcast %max3A_325 : f32 to vector<16xf32>
        %max3A_327 = arith.maximumf %add3A_324, %max3A_326 : vector<16xf32>
        %min3A_328 = arith.constant 1.550000e+01 : f32
        %min3A_329 = vector.broadcast %min3A_328 : f32 to vector<16xf32>
        %min3A_330 = arith.minimumf %max3A_327, %min3A_329 : vector<16xf32>
        %convert_element_type3A_331 = arith.fptosi %min3A_330 : vector<16xf32> to vector<16xi32>
        %broadcast_in_dim3A_332 = vector.shape_cast %convert_element_type3A_331 : vector<16xi32> to vector<16x1xi32>
        %gather3A_333 = vector.shape_cast %broadcast_in_dim3A_332 : vector<16x1xi32> to vector<16xi32>
        %gather3A_334 = tpu.dynamic_gather %get3A_4[%gather3A_333] in [0] : vector<16xf32>, vector<16xi32> -> vector<16xf32>
        %broadcast_in_dim3A_335 = vector.shape_cast %convert_element_type3A_331 : vector<16xi32> to vector<16x1xi32>
        %gather3A_336 = vector.shape_cast %broadcast_in_dim3A_335 : vector<16x1xi32> to vector<16xi32>
        %gather3A_337 = tpu.dynamic_gather %get3A_7[%gather3A_336] in [0] : vector<16xf32>, vector<16xi32> -> vector<16xf32>
        %mul3A_338 = arith.mulf %max3A_327, %gather3A_337 : vector<16xf32>
        %add3A_339 = arith.addf %gather3A_334, %mul3A_338 : vector<16xf32>
        %swap3A_340 = arith.index_cast %mul3A_315 : i32 to index
        %swap3A_341 = tpu.vector_load %arg9[%swap3A_340] {strides = array<i32>} : memref<16384xf32, #tpu.memory_space<vmem>>, vector<16xf32>,
        %swap3A_342 = vector.shape_cast %swap3A_341 : vector<16xf32> to vector<16xf32>
        %swap3A_343 = vector.shape_cast %add3A_339 : vector<16xf32> to vector<16xf32>
        tpu.vector_store %arg9[%swap3A_340], %swap3A_343 {strides = array<i32>} : memref<16384xf32, #tpu.memory_space<vmem>>, vector<16xf32>,
        %scan3A_344 = arith.constant 0 : i32
        scf.yield %scan3A_344 : i32
      }
      %scan3A_68 = arith.constant 128 : i32
      %mul3A_69 = arith.constant 16384 : i32
      %mul3A_70 = arith.muli %add3A_48, %mul3A_69 : i32
      %add3A_71 = arith.addi %mul3A_2, %mul3A_70 : i32
      %dma_start3A_72 = tpu.memref_slice %arg5[%add3A_71] : memref<16777216xf32, #tpu.memory_space<hbm>> -> memref<16384xf32, #tpu.memory_space<hbm>>
      %dma_start3A_73 = tpu.memref_slice %arg5[%add3A_71] : memref<16777216xf32, #tpu.memory_space<hbm>> -> memref<16384xf32, #tpu.memory_space<hbm>>
      tpu.enqueue_dma source(%arg9 : memref<16384xf32, #tpu.memory_space<vmem>>) target(%dma_start3A_73 : memref<16384xf32, #tpu.memory_space<hbm>>) target_semaphore(%arg15 : memref<!tpu.dma_semaphore, #tpu.memory_space<semaphore_mem>>)
      %scan3A_74 = arith.constant 0 : i32
      scf.yield %scan3A_74 : i32
    }
    %scan3A_14 = arith.constant 16 : i32
    %dma_wait3A = tpu.memref_slice %arg5[%mul3A_2] : memref<16777216xf32, #tpu.memory_space<hbm>> -> memref<16384xf32, #tpu.memory_space<hbm>>
    %dma_wait3A_15 = tpu.memref_slice %arg5[%mul3A_2] : memref<16777216xf32, #tpu.memory_space<hbm>> -> memref<16384xf32, #tpu.memory_space<hbm>>
    tpu.wait_dma2 semaphore(%arg14 : memref<!tpu.dma_semaphore, #tpu.memory_space<semaphore_mem>>) src(%arg8 : memref<16384xf32, #tpu.memory_space<vmem>>) dst(%dma_wait3A_15 : memref<16384xf32, #tpu.memory_space<hbm>>)
    %dma_wait3A_16 = tpu.memref_slice %arg5[%mul3A_2] : memref<16777216xf32, #tpu.memory_space<hbm>> -> memref<16384xf32, #tpu.memory_space<hbm>>
    %dma_wait3A_17 = tpu.memref_slice %arg5[%mul3A_2] : memref<16777216xf32, #tpu.memory_space<hbm>> -> memref<16384xf32, #tpu.memory_space<hbm>>
    tpu.wait_dma2 semaphore(%arg15 : memref<!tpu.dma_semaphore, #tpu.memory_space<semaphore_mem>>) src(%arg9 : memref<16384xf32, #tpu.memory_space<vmem>>) dst(%dma_wait3A_17 : memref<16384xf32, #tpu.memory_space<hbm>>)
    return
  }
}

</mosaic_0001>

<sc_bundles>
// kernel: kernel.3.cloned.1.call-start
scs
__scs_entry_jumppad:
0x0: {  	(pc) =	sbr.rel $0x88, $3  }
0x1: {  	(tag) =	ssettag $0x0;
	lr =	simm.s32 $0x1  }
0x2: {  	[smem:$0x3FA0] =	sst lr;
	_ =	strace $0xD0000000  }
0x3: {  	_ = 	snop  }
0x4: {  	_ = 	snop  }
0x5: {  	_ = 	snop  }
0x6: {  	_ = 	snop  }
0x7: {  	_ = 	snop  }
__scs_overlays_trampoline_lowered:
0x8: {  	[smem:$0x3FAF] =	sst s0  }
0x9: {  	[smem:$0x3FB0] =	sst s1  }
0xa: {  	[smem:$0x3FB1] =	sst s2  }
0xb: {  	[smem:$0x3FB2] =	sst s3  }
0xc: {  	[smem:$0x3FB3] =	sst s4  }
0xd: {  	[smem:$0x3FB4] =	sst s5  }
0xe: {  	[smem:$0x3FB5] =	sst s6  }
0xf: {  	[smem:$0x3FB6] =	sst s7  }
0x10: {  	[smem:$0x3FB7] =	sst s8  }
0x11: {  	[smem:$0x3FB8] =	sst s9;
	s0 =	simm.s32 @!p0 $0x0  }
0x12: {  	s1 =	sld [smem:$0x3F9E];
	s0 =	simm.s32 @p0 $0x1  }
0x13: {  	[smem:$0x3FB9] =	sst s0;
	s0 =	simm.s32 @!p1 $0x0  }
0x14: {  	s2 =	sld [smem:$0x3F9D];
	s0 =	simm.s32 @p1 $0x1  }
0x15: {  	[smem:$0x3FBA] =	sst s0;
	s0 =	simm.s32 @!p2 $0x0  }
0x16: {  	s3 =	sld [smem:$0x3FDB];
	s0 =	simm.s32 @p2 $0x1  }
0x17: {  	s4 =	simm.s32 $0x1BF5;
	[smem:$0x3FBC] =	sst s0  }
0x18: {  	s0 =	sld [smem:$0x3F9F];
	_ =	swait.ge [sflag:s4], $0x0  }
0x19: {  	s7 =	sld [smem:$0x3FA0]  }
0x1a: {  	s8 =	sadd.s32 $0xFFFFE003, lr  }
0x1b: {  	s9 =	sadd.s32 $0xFFFFFEF7, lr;
	s5 =	simm.s32 $0xFFFFFFFF;
	p2 =	slt.u32 s8, $0xFFFFF086  }
0x1c: {  	p1 =	slt.u32 s9, $0xF7A;
	s5 =	simm.s32 @!p2 $0x0  }
0x1d: {  	s5 =	simm.s32 @p1 $0x1;
	p0 =	seq.s32 s7, s2  }
0x1e: {  	s7 =	smul.u32 @!p0 $0xF7A, s2;
	p2 =	seq.s32 @!p0 s5, $0x0  }
0x1f: {  	s9 =	smul.u32 $0xF7A, s1;
	s8 =	simm.s32 @!p0 $0x1BF5;
	p2 =	por !p2, p0  }
0x20: {  	[sflag:s8] =	ssyncset.s32 @!p0 $0xFFFFF086;
	s6 =	sadd.s32 @!p0 s3, s7;
	s7 =	simm.s32 @!p0 $0x108  }
0x21: {  	s3 =	sadd.s32 s3, s9;
	s6 =	sadd.s32 @!p0 $0x88, s6;
	s7 =	simm.s32 @p2 $0x1082  }
0x22: {  	[simem:s7], [sflag:s8] =	dma.local @!p0 [hbm:s6], $0xF7A  }
0x23: {  	s9 =	sor.u32 $0xD0000000, s2;
	s6 =	simm.s32 $0x108;
	_ =	swait.ge @!p0 [sflag:s8], $0x0  }
0x24: {  	s3 =	sadd.s32 $0x88, s3;
	s6 =	simm.s32 @!p1 $0x1082;
	[sflag:s4] =	ssyncset.s32 $0xFFFFF086  }
0x25: {  	[simem:s6], [sflag:s4] =	dma.local [hbm:s3], $0xF7A  }
0x26: {  	[smem:$0x3FA0] =	sst s1;
	(tag) =	ssettag s2;
	_ =	strace s9  }
0x27: {  	s1 =	sld [smem:$0x3FB0]  }
0x28: {  	s2 =	sld [smem:$0x3FB1]  }
0x29: {  	s4 =	sld [smem:$0x3FB3]  }
0x2a: {  	p0 =	seq.s32 s5, $0x0;
	s5 =	sld [smem:$0x3FB4]  }
0x2b: {  	s6 =	sld [smem:$0x3FB5]  }
0x2c: {  	s7 =	sld [smem:$0x3FB6]  }
0x2d: {  	s3 =	simm.s32 $0x108;
	s8 =	sld [smem:$0x3FB7]  }
0x2e: {  	s3 =	simm.s32 @!p0 $0x1082;
	s9 =	sld [smem:$0x3FB8]  }
0x2f: {  	lr =	sadd.s32 s0, s3;
	s0 =	sld [smem:$0x3FAF]  }
0x30: {  	s3 =	sld [smem:$0x3FB2]  }
0x31: {  	[smem:$0x3FBB] =	sst s10  }
0x32: {  	s10 =	sld [smem:$0x3FB9];
	_ =	sdelay $0x3  }
0x33: {  	p0 =	seq.s32 s10, $0x1;
	s10 =	sld [smem:$0x3FBB];
	_ =	sdelay $0x3  }
0x34: {  	[smem:$0x3FBB] =	sst s10  }
0x35: {  	s10 =	sld [smem:$0x3FBA];
	_ =	sdelay $0x3  }
0x36: {  	p1 =	seq.s32 s10, $0x1;
	s10 =	sld [smem:$0x3FBB];
	_ =	sdelay $0x3  }
0x37: {  	[smem:$0x3FBB] =	sst s10  }
0x38: {  	s10 =	sld [smem:$0x3FBC]  }
0x39: {  	_ = 	snop;
	(pc) =	sbr.ind lr, $3  }
0x3a: {  	_ = 	snop  }
0x3b: {  	_ = 	snop  }
0x3c: {  	p2 =	seq.s32 s10, $0x1;
	s10 =	sld [smem:$0x3FBB]  }
0x3d: {  	_ =	shalt  }
0x3e: {  	_ =	shalt  }
0x3f: {  	_ =	shalt  }
0x40: {  	_ =	shalt  }
0x41: {  	_ =	shalt  }
0x42: {  	_ =	shalt  }
0x43: {  	_ =	shalt  }
0x44: {  	_ =	shalt  }
0x45: {  	_ =	shalt  }
0x46: {  	_ =	shalt  }
0x47: {  	_ =	shalt  }
0x48: {  	_ =	shalt  }
0x49: {  	_ =	shalt  }
0x4a: {  	_ =	shalt  }
0x4b: {  	_ =	shalt  }
0x4c: {  	_ =	shalt  }
0x4d: {  	_ =	shalt  }
0x4e: {  	_ =	shalt  }
0x4f: {  	_ =	shalt  }
0x50: {  	_ =	shalt  }
0x51: {  	_ =	shalt  }
0x52: {  	_ =	shalt  }
0x53: {  	_ =	shalt  }
0x54: {  	_ =	shalt  }
0x55: {  	_ =	shalt  }
0x56: {  	_ =	shalt  }
0x57: {  	_ =	shalt  }
0x58: {  	_ =	shalt  }
0x59: {  	_ =	shalt  }
0x5a: {  	_ =	shalt  }
0x5b: {  	_ =	shalt  }
0x5c: {  	_ =	shalt  }
0x5d: {  	_ =	shalt  }
0x5e: {  	_ =	shalt  }
0x5f: {  	_ =	shalt  }
0x60: {  	_ =	shalt  }
0x61: {  	_ =	shalt  }
0x62: {  	_ =	shalt  }
0x63: {  	_ =	shalt  }
0x64: {  	_ =	shalt  }
0x65: {  	_ =	shalt  }
0x66: {  	_ =	shalt  }
0x67: {  	_ =	shalt  }
0x68: {  	_ =	shalt  }
0x69: {  	_ =	shalt  }
0x6a: {  	_ =	shalt  }
0x6b: {  	_ =	shalt  }
0x6c: {  	_ =	shalt  }
0x6d: {  	_ =	shalt  }
0x6e: {  	_ =	shalt  }
0x6f: {  	_ =	shalt  }
0x70: {  	_ =	shalt  }
0x71: {  	_ =	shalt  }
0x72: {  	_ =	shalt  }
0x73: {  	_ =	shalt  }
0x74: {  	_ =	shalt  }
0x75: {  	_ =	shalt  }
0x76: {  	_ =	shalt  }
0x77: {  	_ =	shalt  }
0x78: {  	_ =	shalt  }
0x79: {  	_ =	shalt  }
0x7a: {  	_ =	shalt  }
0x7b: {  	_ =	shalt  }
0x7c: {  	_ =	shalt  }
0x7d: {  	_ =	shalt  }
0x7e: {  	_ =	shalt  }
0x7f: {  	_ =	shalt  }
0x80: {  	_ =	shalt  }
0x81: {  	_ =	shalt  }
0x82: {  	_ =	shalt  }
0x83: {  	_ =	shalt  }
0x84: {  	_ =	shalt  }
0x85: {  	_ =	shalt  }
0x86: {  	_ =	shalt  }
0x87: {  	_ =	shalt  }
.Lfunc_end0:
.L_simem_size_0:
called_computation_lowered:
.L_overlay_start_0:
0x88: {  	s2 =	sld [smem:$0x3FD9]  }
0x89: {  	s3 =	sld [smem:$0x3FFE];
	_ =	sdelay $0x1  }
0x8a: {  	s1 =	srdreg.scid  }
0x8b: {  	s0 =	sand.u32 $0x1, s1  }
0x8c: {  	s17 =	sshll.u32 s0, $0xA;
	s2 =	sadd.s32 s3, s2  }
0x8d: {  	s2 =	sadd.s32 s2, s17  }
0x8e: {  	[smem:$0x3FC7] =	sst s2  }
0x8f: {  	_ = 	snop  }
0x90: {  	s2 =	sld [smem:$0x3FC9]  }
0x91: {  	s18 =	sld [smem:$0x3FD0];
	(tm) =	ssettm $0x1  }
0x92: {  	s4 =	sld [smem:$0x3FFB];
	_ =	sdelay $0x3  }
0x93: {  	_ =	strace s4  }
0x94: {  	s4 =	sld [smem:$0x3FFC];
	_ =	sdelay $0x3  }
0x95: {  	_ =	strace s4  }
0x96: {  	s4 =	sld [smem:$0x3FFD];
	_ =	sdelay $0x3  }
0x97: {  	_ =	strace s4  }
0x98: {  	_ =	strace $0x8FFFFFFF  }
0x99: {  	s19 =	sld [smem:$0x3FDB];
	_ =	sdelay $0x1  }
0x9a: {  	s5 =	simm.s32 $_scs_section_size  }
0x9b: {  	s6 =	simm.s32 $_size__tile_overlayer_lowered;
	s7 =	simm.s32 $_tile_overlayer_lowered  }
0x9c: {  	s22 =	simm.s32 $0x1BFF;
	s21 =	sshll.u32 s7, $0x1;
	s4 =	sadd.s32 s5, s19  }
0x9d: {  	s8 =	simm.s32 $0x0;
	s20 =	sshll.u32 s6, $0x1;
	s6 =	sadd.s32 s21, s4  }
0x9e: {  	[timem:s8], [sflag:s22] =	dma.local [hbm:s6], s20  }
0x9f: {  	_ =	swait.ge [sflag:s22], s20  }
0xa0: {  	s5 =	ssub.s32 $0x0, s20;
	[sflag:s22] =	ssyncset.done $0x0  }
0xa1: {  	[sflag:s22] =	ssyncadd.s32 s5;
	_ =	sdelay $0x1  }
0xa2: {  	s23 =	simm.s32 $0x1B8B  }
0xa3: {  	_ =	swait.ge [sflag:s23], $0x1  }
0xa4: {  	[sflag:s23] =	ssyncset.done $0x0  }
0xa5: {  	s25 =	simm.s32 $0x1B8E;
	s24 =	sld [smem:$0x3FFE];
	[sflag:s23] =	ssyncadd.s32 $0xFFFFFFFF  }
0xa6: {  	s26 =	simm.s32 $execute0_lowered;
	[smem:$0x3FD2] =	sst s25  }
0xa7: {  	s6 =	sshll.u32 s26, $0x1;
	_ =	strace $0x80000046;
	[dreg:$0x1] =	wrdreg $0xFFFFFFFF  }
0xa8: {  	s28 =	simm.s32 $_size_execute0_lowered;
	s4 =	sadd.s32 s4, s6;
	[dreg:$0x0] =	wrdreg $0x0  }
0xa9: {  	s6 =	sshll.u32 s28, $0x1;
	[dreg:$0x2] =	wrdreg s4  }
0xaa: {  	[dreg:$0x3] =	wrdreg s6  }
0xab: {  	[dreg:$0x4] =	wrdreg $0xC0  }
0xac: {  	_ =	task [dreg:s8], $0x5FFFF  }
0xad: {  	[dreg:$0x1] =	wrdreg $0xFFFFFFFF  }
0xae: {  	[dreg:$0x0] =	wrdreg $0x60  }
0xaf: {  	[dreg:$0x2] =	wrdreg s2  }
0xb0: {  	[dreg:$0x3] =	wrdreg s24  }
0xb1: {  	[dreg:$0x4] =	wrdreg s18  }
0xb2: {  	[dreg:$0x5] =	wrdreg $0x9  }
0xb3: {  	_ =	task.clear_ibuf [dreg:s8], $0x6FFFF;
	_ =	strace $0x90000046  }
0xb4: {  	s29 =	simm.s32 $0x9;
	_ =	strace $0x80000048  }
0xb5: {  	_ =	swait.ge [sflag:s29], $0x1  }
0xb6: {  	[sflag:s29] =	ssyncadd.s32 $0xFFFFFFFF  }
0xb7: {  	_ =	strace $0x90000048  }
0xb8: {  	_ =	sfence  }
0xb9: {  	s30 =	sld [smem:$0x0];
	_ =	sdelay $0x2  }
0xba: {  	s31 =	sshll.u32 s1, $0xD;
	s1 =	sshrl.u32 s1, $0x2  }
0xbb: {  	s3 =	sand.u32 $0x4000, s31;
	s1 =	sadd.s32 s1, s30  }
0xbc: {  	s0 =	sor.u32 s3, s0;
	s1 =	sshll.u32 s1, $0x11  }
0xbd: {  	s0 =	sor.u32 s1, s0  }
0xbe: {  	s0 =	sadd.s32 $0x8F2B, s0  }
0xbf: {  	[sflag:s0] =	ssyncadd.remote.s32 $0x1  }
0xc0: {  	_ =	sfence.sel $0xFFFF  }
0xc1: {  	[dreg:$0x0] =	wrdreg $0xFFFFFFFF;
	(pc) =	sbr.abs _section_cstart, $3  }
0xc2: {  	[dreg:$0x1] =	wrdreg $0xFFFFFFFF  }
0xc3: {  	_ =	task.clear_ibuf [dreg:s8], $0x2FFFF;
	_ =	strace $0x9FFFFFFF  }
0xc4: {  	(tm) =	ssettm $0x7FFFFFFF  }
0xc5: {  	_ =	shalt  }
tec
execute0_lowered:
.L_overlay_start_1:
0x0: {  	(tag) =	ssettag $0x1  }
0x1: {  	s1 =	rddreg [dreg:$0x0]  }
0x2: {  	s7 =	rddreg [dreg:$0x1]  }
0x3: {  	s2 =	rddreg [dreg:$0x2]  }
0x4: {  	s0 =	rddreg [dreg:$0x3];
	s4 =	simm.s32 $0x0;
	s5 =	srdreg.scid  }
0x5: {  	s3 =	stileid.u32;
	s11 =	simm.s32 $0x10000;
	s12 =	simm.s32 $0x5  }
0x6: {  	s13 =	simm.s32 $0x10080;
	s14 =	simm.s32 $0x4000;
	s15 =	simm.s32 $0x1  }
0x7: {  	s16 =	simm.s32 $0x8000;
	s17 =	simm.s32 $0x2;
	s18 =	simm.s32 $0x4  }
0x8: {  	s19 =	simm.s32 $0xC000;
	s20 =	simm.s32 $0x3;
	s21 =	simm.s32 $0x0  }
0x9: {  	[smem:$0x7FF] =	sst s4;
	s6 =	sand.u32 $0x1, s5;
	s8 =	sshll.u32 s3, $0x14  }
0xa: {  	s5 =	sadd.s32 $0x600, s7;
	s9 =	sshll.u32 s6, $0x13;
	s10 =	ssub.s32 $0x2, s6  }
0xb: {  	s7 =	sadd.s32 $0x400, s7;
	s6 =	sor.u32 s9, s8;
	s31 =	sshrl.u32 s10, $0x1  }
0xc: {  	_ =	strace $0x80000047;
	s9 =	sshrl.u32 s6, $0x3;
	s10 =	ssub.s32 s10, s31  }
0xd: {  	s8 =	sadd.s32 s1, s9;
	s9 =	sor.u32 $0x8000, s6;
	s10 =	smax.u32 s10, $0x1  }
.LBB2_1:
0xe: {  	[tilespmem:s11], [sflag:$0x5] =	stream.linear.gather [hbm4b:s5+s4], $0x80, $0x38;
	[tilespmem:$0x10100] =	vst v63  }
0xf: {  	_ =	swait.ge [sflag:s12], $0x80  }
0x10: {  	[sflag:s12] =	ssyncset.done $0x0  }
0x11: {  	[sflag:s12] =	ssyncadd.s32 $0xFFFFFF80  }
0x12: {  	[tilespmem:s13], [sflag:$0x5] =	stream.linear.gather [hbm4b:s7+s4], $0x80, $0x38;
	[tilespmem:$0x10100] =	vst v63  }
0x13: {  	_ =	swait.ge [sflag:s12], $0x80  }
0x14: {  	[sflag:s12] =	ssyncset.done $0x0  }
0x15: {  	[sflag:s12] =	ssyncadd.s32 $0xFFFFFF80  }
0x16: {  	v1 =	vld [tilespmem:$0x10080]  }
0x17: {  	v0 =	vld [tilespmem:$0x10000];
	_ =	sdelay $0x1  }
0x18: {  	s22 =	simm.s32 $0x0  }
0x19: {  	[tilespmem:s4], [sflag:$0x1] =	stream.linear.gather [hbm4b:s8+s4], $0x4000, $0x38;
	[tilespmem:$0x10100] =	vst v63  }
.LBB2_2:
0x1a: {  	s24 =	sshll.u32 s22, $0xF  }
0x1b: {  	s23 =	sor.u32 s24, s6  }
0x1c: {  	s25 =	sshrl.u32 s23, $0x3  }
0x1d: {  	s23 =	sor.u32 $0x800, s25  }
0x1e: {  	s26 =	sadd.s32 s1, s23  }
0x1f: {  	[tilespmem:s14], [sflag:$0x2] =	stream.linear.gather [hbm4b:s26+s4], $0x4000, $0x38;
	[tilespmem:$0x10100] =	vst v63  }
0x20: {  	_ =	swait.ge [sflag:s15], $0x4000  }
0x21: {  	p0 =	seq.s32 s22, $0x0;
	[sflag:s15] =	ssyncset.done $0x0  }
0x22: {  	s26 =	simm.s32 @!p0 $0x3;
	[sflag:s15] =	ssyncadd.s32 $0xFFFFC000  }
0x23: {  	_ =	swait.ge @!p0 [sflag:s26], $0x4000  }
0x24: {  	[sflag:s26] =	ssyncset.done @!p0 $0x0  }
0x25: {  	[sflag:s26] =	ssyncadd.s32 @!p0 $0xFFFFC000;
	s26 =	simm.s32 $0x0  }
0x26: {  	v2 =	vld [tilespmem:s26+$0x60]  }
0x27: {  	v3 =	vld [tilespmem:s26+$0x40]  }
0x28: {  	v4 =	vld [tilespmem:s26+$0x70]  }
0x29: {  	v5 =	vld [tilespmem:s26+$0x20]  }
0x2a: {  	v6 =	vld [tilespmem:s26+$0x10]  }
0x2b: {  	v7 =	vld [tilespmem:s26+$0x50]  }
0x2c: {  	v9 =	vld [tilespmem:s26+$0x30]  }
0x2d: {  	v13 =	vld [tilespmem:s26+$0x0]  }
0x2e: {  	v2 =	vmul.f32 $1.142857190e+00, v2;
	v3 =	vmul.f32 $1.142857190e+00, v3  }
0x2f: {  	v4 =	vmul.f32 $1.142857190e+00, v4;
	v5 =	vmul.f32 $1.142857190e+00, v5  }
0x30: {  	v6 =	vmul.f32 $1.142857190e+00, v6;
	v7 =	vmul.f32 $1.142857190e+00, v7;
	v2 =	vadd.f32 $9.142857550e+00, v2  }
0x31: {  	v9 =	vmul.f32 $1.142857190e+00, v9;
	v3 =	vadd.f32 $9.142857550e+00, v3;
	v4 =	vadd.f32 $9.142857550e+00, v4  }
0x32: {  	v13 =	vmul.f32 $1.142857190e+00, v13;
	v5 =	vadd.f32 $9.142857550e+00, v5;
	v7 =	vadd.f32 $9.142857550e+00, v7  }
0x33: {  	v9 =	vadd.f32 $9.142857550e+00, v9;
	v6 =	vadd.f32 $9.142857550e+00, v6;
	v2 =	vmax.f32 v2, $0.0e+00  }
0x34: {  	v13 =	vadd.f32 $9.142857550e+00, v13;
	v3 =	vmax.f32 v3, $0.0e+00;
	v8 =	vmin.f32 v2, $1.550000000e+01  }
0x35: {  	v4 =	vmax.f32 v4, $0.0e+00;
	v5 =	vmax.f32 v5, $0.0e+00;
	v8 =	vtrunc.f32 v8  }
0x36: {  	v7 =	vmax.f32 v7, $0.0e+00;
	v10 =	vmin.f32 v3, $1.550000000e+01;
	v8 =	vcvt.f32.s32 v8  }
0x37: {  	v11 =	vmin.f32 v4, $1.550000000e+01;
	v14 =	vmin.f32 v7, $1.550000000e+01;
	v10 =	vtrunc.f32 v10  }
0x38: {  	v14 =	vtrunc.f32 v14;
	v11 =	vtrunc.f32 v11;
	v8 =	vand.u32 $0xF, v8  }
0x39: {  	v17 =	vmin.f32 v5, $1.550000000e+01;
	v10 =	vcvt.f32.s32 v10;
	v12 =	vperm.xlane v1, v8  }
0x3a: {  	v15 =	vmax.f32 v9, $0.0e+00;
	v17 =	vtrunc.f32 v17;
	v11 =	vcvt.f32.s32 v11  }
0x3b: {  	v9 =	vcvt.f32.s32 v14;
	v10 =	vand.u32 $0xF, v10;
	v2 =	vmul.f32 v2, v12  }
0x3c: {  	v18 =	vmin.f32 v15, $1.550000000e+01;
	v12 =	vperm.xlane v0, v10;
	v10 =	vperm.xlane v1, v10  }
0x3d: {  	v18 =	vtrunc.f32 v18;
	v14 =	vmax.f32 v6, $0.0e+00;
	v6 =	vand.u32 $0xF, v9  }
0x3e: {  	s28 =	simm.s32 $0x80;
	v16 =	vperm.xlane v1, v6;
	v3 =	vmul.f32 v3, v10;
	v10 =	vand.u32 $0xF, v11  }
0x3f: {  	v13 =	vmax.f32 v13, $0.0e+00;
	v18 =	vcvt.f32.s32 v18;
	v11 =	vld [tilespmem:s28+$0x70];
	v9 =	vperm.xlane v1, v10  }
0x40: {  	v8 =	vperm.xlane v0, v8;
	v7 =	vmul.f32 v7, v16;
	v3 =	vadd.f32 v3, v12;
	v12 =	vld [tilespmem:s28+$0x60]  }
0x41: {  	v16 =	vmin.f32 v13, $1.550000000e+01;
	v10 =	vperm.xlane v0, v10;
	v4 =	vmul.f32 v4, v9;
	v9 =	vld [tilespmem:s28+$0x40]  }
0x42: {  	v19 =	vld [tilespmem:s28+$0x50];
	v18 =	vand.u32 $0xF, v18;
	v2 =	vadd.f32 v2, v8;
	v8 =	vtrunc.f32 v16;
	[tilespmem:s26+$0x8040] =	vst v3  }
0x43: {  	v6 =	vperm.xlane v0, v6;
	v8 =	vcvt.f32.s32 v8;
	v3 =	vadd.f32 v4, v10;
	v4 =	vld [tilespmem:s28+$0x20]  }
0x44: {  	v26 =	vperm.xlane v1, v18;
	v10 =	vcvt.f32.s32 v17;
	v17 =	vld [tilespmem:s28+$0x30]  }
0x45: {  	v16 =	vadd.f32 v7, v6;
	v8 =	vand.u32 $0xF, v8;
	v7 =	vmul.f32 $1.142857190e+00, v12  }
0x46: {  	[tilespmem:s26+$0x8070] =	vst v3;
	v3 =	vand.u32 $0xF, v10;
	v10 =	vmul.f32 $1.142857190e+00, v11;
	v9 =	vmul.f32 $1.142857190e+00, v9  }
0x47: {  	v12 =	vperm.xlane v0, v3;
	v3 =	vperm.xlane v1, v3;
	v7 =	vadd.f32 $9.142857550e+00, v7  }
0x48: {  	v11 =	vmin.f32 v14, $1.550000000e+01;
	v6 =	vld [tilespmem:s28+$0x10];
	v9 =	vadd.f32 $9.142857550e+00, v9;
	v4 =	vmul.f32 $1.142857190e+00, v4  }
0x49: {  	v3 =	vmul.f32 v5, v3;
	v17 =	vmul.f32 $1.142857190e+00, v17;
	v21 =	vmax.f32 v7, $0.0e+00  }
0x4a: {  	v7 =	vtrunc.f32 v11;
	v20 =	vmax.f32 v9, $0.0e+00;
	v9 =	vadd.f32 $9.142857550e+00, v10  }
0x4b: {  	v11 =	vcvt.f32.s32 v7;
	v7 =	vmul.f32 $1.142857190e+00, v19;
	v4 =	vadd.f32 $9.142857550e+00, v4  }
0x4c: {  	v3 =	vadd.f32 v3, v12;
	v12 =	vperm.xlane v0, v18;
	v17 =	vadd.f32 $9.142857550e+00, v17  }
0x4d: {  	v5 =	vmin.f32 v20, $1.550000000e+01;
	v22 =	vmul.f32 $1.142857190e+00, v6;
	v6 =	vmin.f32 v21, $1.550000000e+01  }
0x4e: {  	v5 =	vtrunc.f32 v5;
	v10 =	vtrunc.f32 v6;
	v6 =	vmax.f32 v9, $0.0e+00  }
0x4f: {  	v7 =	vadd.f32 $9.142857550e+00, v7;
	v24 =	vand.u32 $0xF, v11;
	v9 =	vcvt.f32.s32 v10  }
0x50: {  	v4 =	vmax.f32 v4, $0.0e+00;
	v5 =	vcvt.f32.s32 v5;
	v10 =	vperm.xlane v0, v8  }
0x51: {  	v19 =	vmin.f32 v6, $1.550000000e+01;
	v8 =	vperm.xlane v1, v8;
	v62 =	vperm.xlane v0, v24  }
0x52: {  	v24 =	vperm.xlane v1, v24;
	v7 =	vmax.f32 v7, $0.0e+00;
	v19 =	vtrunc.f32 v19  }
0x53: {  	v9 =	vand.u32 $0xF, v9;
	v13 =	vmul.f32 v13, v8;
	v19 =	vcvt.f32.s32 v19  }
0x54: {  	v25 =	vand.u32 $0xF, v5;
	v24 =	vmul.f32 v14, v24;
	v23 =	vperm.xlane v1, v9  }
0x55: {  	v63 =	vmin.f32 v7, $1.550000000e+01;
	v11 =	vperm.xlane v0, v25;
	v25 =	vperm.xlane v1, v25  }
0x56: {  	v22 =	vadd.f32 $9.142857550e+00, v22;
	v8 =	vld [tilespmem:s28+$0x0];
	[tilespmem:s26+$0x8060] =	vst v2;
	v5 =	vmul.f32 v21, v23;
	v23 =	vtrunc.f32 v63  }
0x57: {  	v2 =	vmax.f32 v17, $0.0e+00;
	[tilespmem:s26+$0x8050] =	vst v16;
	v16 =	vmul.f32 v15, v26;
	v23 =	vcvt.f32.s32 v23  }
0x58: {  	[tilespmem:s26+$0x8020] =	vst v3;
	v3 =	vmax.f32 v22, $0.0e+00;
	v9 =	vperm.xlane v0, v9;
	v18 =	vmul.f32 v20, v25  }
0x59: {  	s29 =	simm.s32 $0x400;
	v17 =	vand.u32 $0xF, v19;
	v15 =	vadd.f32 v24, v62;
	v14 =	vand.u32 $0xF, v23  }
.LBB2_3:
0x5a: {  	s30 =	sshra.s32 s29, $0x2;
	p1 =	sne.s32 s29, $0xFE00;
	s29 =	sadd.s32 $0x200, s29;
	v11 =	vadd.f32 v18, v11;
	v18 =	vperm.xlane v1, v17;
	v10 =	vadd.f32 v13, v10  }
0x5b: {  	v8 =	vmul.f32 $1.142857190e+00, v8;
	v17 =	vperm.xlane v0, v17;
	v12 =	vadd.f32 v16, v12;
	v13 =	vld [tilespmem:s30+$0x70];
	[tilespmem:s26+$0x8010] =	vst v15  }
0x5c: {  	v16 =	vmin.f32 v2, $1.550000000e+01;
	v19 =	vperm.xlane v1, v14;
	v15 =	vld [tilespmem:s30+$0x60];
	v6 =	vmul.f32 v6, v18;
	[tilespmem:s26+$0x8000] =	vst v10  }
0x5d: {  	v14 =	vperm.xlane v0, v14;
	v8 =	vadd.f32 $9.142857550e+00, v8;
	v18 =	vmin.f32 v4, $1.550000000e+01;
	v10 =	vld [tilespmem:s30+$0x40];
	[tilespmem:s26+$0x8030] =	vst v12;
	s26 =	smov.u32 s28;
	s28 =	smov.u32 s30  }
0x5e: {  	v16 =	vtrunc.f32 v16;
	v18 =	vtrunc.f32 v18;
	v12 =	vld [tilespmem:s28+$0x50];
	[tilespmem:s26+$0x8040] =	vst v11;
	v6 =	vadd.f32 v6, v17  }
0x5f: {  	v7 =	vmul.f32 v7, v19;
	v17 =	vmax.f32 v8, $0.0e+00;
	v18 =	vcvt.f32.s32 v18;
	v11 =	vld [tilespmem:s28+$0x20]  }
0x60: {  	v5 =	vadd.f32 v5, v9;
	v16 =	vcvt.f32.s32 v16;
	v20 =	vmin.f32 v17, $1.550000000e+01;
	v19 =	vld [tilespmem:s28+$0x30];
	[tilespmem:s26+$0x8070] =	vst v6  }
0x61: {  	v7 =	vadd.f32 v7, v14;
	v6 =	vtrunc.f32 v20;
	v9 =	vand.u32 $0xF, v18;
	v8 =	vld [tilespmem:s28+$0x0]  }
0x62: {  	v16 =	vand.u32 $0xF, v16;
	v18 =	vcvt.f32.s32 v6;
	v14 =	vld [tilespmem:s28+$0x10];
	v10 =	vmul.f32 $1.142857190e+00, v10;
	[tilespmem:s26+$0x8060] =	vst v5  }
0x63: {  	v5 =	vmul.f32 $1.142857190e+00, v15;
	v15 =	vperm.xlane v0, v9;
	[tilespmem:s26+$0x8050] =	vst v7  }
0x64: {  	v9 =	vperm.xlane v1, v9;
	v7 =	vmul.f32 $1.142857190e+00, v13;
	v6 =	vadd.f32 $9.142857550e+00, v10  }
0x65: {  	v10 =	vmul.f32 $1.142857190e+00, v11;
	v5 =	vadd.f32 $9.142857550e+00, v5;
	v11 =	vmin.f32 v3, $1.550000000e+01  }
0x66: {  	v13 =	vmul.f32 v4, v9;
	v20 =	vmax.f32 v6, $0.0e+00;
	v6 =	vadd.f32 $9.142857550e+00, v7  }
0x67: {  	v5 =	vmax.f32 v5, $0.0e+00;
	v7 =	vtrunc.f32 v11;
	v4 =	vmin.f32 v20, $1.550000000e+01  }
0x68: {  	v14 =	vmul.f32 $1.142857190e+00, v14;
	v9 =	vmin.f32 v5, $1.550000000e+01;
	v4 =	vtrunc.f32 v4  }
0x69: {  	v11 =	vcvt.f32.s32 v7;
	v9 =	vtrunc.f32 v9;
	v6 =	vmax.f32 v6, $0.0e+00  }
0x6a: {  	v7 =	vadd.f32 $9.142857550e+00, v10;
	v10 =	vmul.f32 $1.142857190e+00, v12;
	v9 =	vcvt.f32.s32 v9  }
0x6b: {  	v18 =	vand.u32 $0xF, v18;
	v12 =	vcvt.f32.s32 v4;
	v21 =	vmin.f32 v6, $1.550000000e+01  }
0x6c: {  	v22 =	vadd.f32 $9.142857550e+00, v10;
	v10 =	vperm.xlane v0, v18;
	v9 =	vand.u32 $0xF, v9  }
0x6d: {  	v4 =	vmax.f32 v7, $0.0e+00;
	v18 =	vperm.xlane v1, v18;
	v23 =	vperm.xlane v1, v9  }
0x6e: {  	v19 =	vmul.f32 $1.142857190e+00, v19;
	v7 =	vmax.f32 v22, $0.0e+00;
	v22 =	vand.u32 $0xF, v11  }
0x6f: {  	v24 =	vand.u32 $0xF, v12;
	v5 =	vmul.f32 v5, v23;
	v23 =	vperm.xlane v0, v22  }
0x70: {  	v11 =	vperm.xlane v0, v24;
	v12 =	vmin.f32 v7, $1.550000000e+01;
	v22 =	vperm.xlane v1, v22  }
0x71: {  	v15 =	vadd.f32 v13, v15;
	v9 =	vperm.xlane v0, v9;
	v25 =	vtrunc.f32 v12  }
0x72: {  	v21 =	vtrunc.f32 v21;
	v12 =	vperm.xlane v0, v16  }
.Ltmp0:
0x73: {  	v19 =	vadd.f32 $9.142857550e+00, v19;
	v13 =	vmul.f32 v17, v18;
	v24 =	vperm.xlane v1, v24;
	[tilespmem:s26+$0x8020] =	vst v15;
	(pc) =	sbr.rel @p1 .LBB2_3-.Ltmp0, $4  }
0x74: {  	v14 =	vadd.f32 $9.142857550e+00, v14;
	v16 =	vperm.xlane v1, v16;
	v15 =	vcvt.f32.s32 v21  }
0x75: {  	v19 =	vmax.f32 v19, $0.0e+00;
	v22 =	vmul.f32 v3, v22;
	v21 =	vcvt.f32.s32 v25  }
0x76: {  	v18 =	vmul.f32 v20, v24;
	v16 =	vmul.f32 v2, v16;
	v2 =	vmovc v19;
	v17 =	vand.u32 $0xF, v15  }
0x77: {  	v3 =	vmax.f32 v14, $0.0e+00;
	v14 =	vand.u32 $0xF, v21;
	v15 =	vadd.f32 v22, v23  }
0x78: {  	v11 =	vadd.f32 v18, v11;
	v43 =	vperm.xlane v1, v17;
	v8 =	vmul.f32 $1.142857190e+00, v8  }
0x79: {  	v10 =	vadd.f32 v13, v10;
	v44 =	vperm.xlane v0, v17;
	v12 =	vadd.f32 v16, v12  }
0x7a: {  	v45 =	vmin.f32 v2, $1.550000000e+01;
	v46 =	vperm.xlane v1, v14;
	v47 =	vmin.f32 v4, $1.550000000e+01  }
0x7b: {  	v48 =	vperm.xlane v0, v14;
	v49 =	vmin.f32 v3, $1.550000000e+01;
	v18 =	vtrunc.f32 v47  }
0x7c: {  	v16 =	vtrunc.f32 v45;
	v17 =	vtrunc.f32 v49;
	v8 =	vadd.f32 $9.142857550e+00, v8  }
0x7d: {  	v5 =	vadd.f32 v5, v9;
	v6 =	vmul.f32 v6, v43;
	v18 =	vcvt.f32.s32 v18  }
0x7e: {  	v7 =	vmul.f32 v7, v46;
	v16 =	vcvt.f32.s32 v16;
	v8 =	vmax.f32 v8, $0.0e+00  }
0x7f: {  	v17 =	vcvt.f32.s32 v17;
	v18 =	vand.u32 $0xF, v18;
	v19 =	vmin.f32 v8, $1.550000000e+01  }
0x80: {  	[tilespmem:s26+$0x8010] =	vst v15;
	v6 =	vadd.f32 v6, v44;
	v51 =	vperm.xlane v1, v18;
	v19 =	vtrunc.f32 v19  }
0x81: {  	[tilespmem:s26+$0x8000] =	vst v10;
	v53 =	vand.u32 $0xF, v17;
	v52 =	vperm.xlane v0, v18;
	v50 =	vcvt.f32.s32 v19  }
0x82: {  	[tilespmem:s26+$0x8030] =	vst v12;
	v57 =	vand.u32 $0xF, v16;
	v56 =	vperm.xlane v1, v53;
	v10 =	vperm.xlane v0, v53  }
0x83: {  	[tilespmem:s28+$0x8040] =	vst v11;
	v60 =	vperm.xlane v1, v57;
	v54 =	vmul.f32 v4, v51;
	v55 =	vand.u32 $0xF, v50  }
0x84: {  	[tilespmem:s28+$0x8060] =	vst v5;
	v59 =	vadd.f32 v7, v48;
	v3 =	vmul.f32 v3, v56;
	v58 =	vperm.xlane v1, v55  }
0x85: {  	v62 =	vperm.xlane v0, v57;
	[tilespmem:s28+$0x8070] =	vst v6;
	v2 =	vmul.f32 v2, v60;
	v4 =	vadd.f32 v54, v52  }
0x86: {  	p1 =	sne.s32 s22, $0xF;
	[tilespmem:s28+$0x8050] =	vst v59;
	v3 =	vadd.f32 v3, v10;
	v61 =	vperm.xlane v0, v55;
	v8 =	vmul.f32 v8, v58  }
.Ltmp1:
0x87: {  	v2 =	vadd.f32 v2, v62;
	[tilespmem:s28+$0x8020] =	vst v4;
	(pc) =	sbr.rel @p1 .LBB2_6-.Ltmp1, $4  }
0x88: {  	[tilespmem:s28+$0x8010] =	vst v3;
	v63 =	vadd.f32 v8, v61  }
0x89: {  	[tilespmem:s28+$0x8030] =	vst v2  }
0x8a: {  	s25 =	sadd.s32 s2, s25;
	[tilespmem:s28+$0x8000] =	vst v63  }
0x8b: {  	[hbm4b:s25+s4] =	stream.linear.scatter [tilespmem:s16], [sflag:$0x3], $0x4000, $0x38;
	[tilespmem:$0x10100] =	vst v63  }
.Ltmp2:
0x8c: {  	(pc) =	sbr.rel .LBB2_7-.Ltmp2, $4  }
0x8d: {  	_ = 	snop  }
0x8e: {  	_ =	swait.ge [sflag:s17], $0x4000  }
0x8f: {  	[sflag:s17] =	ssyncset.done $0x0  }
0x90: {  	[sflag:s17] =	ssyncadd.s32 $0xFFFFC000  }
.LBB2_6:
0x91: {  	s24 =	sadd.s32 s24, s9  }
0x92: {  	s24 =	sshrl.u32 s24, $0x3  }
.Ltmp3:
0x93: {  	s24 =	sadd.s32 s1, s24;
	(pc) =	sbr.rel @p0 .LBB2_8-.Ltmp3, $4  }
0x94: {  	[tilespmem:s4], [sflag:$0x1] =	stream.linear.gather [hbm4b:s24+s4], $0x4000, $0x38;
	[tilespmem:$0x10100] =	vst v63  }
0x95: {  	_ =	swait.ge [sflag:s17], $0x4000  }
0x96: {  	[sflag:s17] =	ssyncset.done $0x0  }
0x97: {  	[sflag:s17] =	ssyncadd.s32 $0xFFFFC000  }
.LBB2_7:
0x98: {  	_ =	swait.ge [sflag:s18], $0x4000  }
0x99: {  	[sflag:s18] =	ssyncset.done $0x0  }
0x9a: {  	[sflag:s18] =	ssyncadd.s32 $0xFFFFC000  }
.LBB2_8:
0x9b: {  	s24 =	simm.s32 $0x0  }
0x9c: {  	v2 =	vld [tilespmem:s24+$0x4060]  }
0x9d: {  	v3 =	vld [tilespmem:s24+$0x4040]  }
0x9e: {  	v4 =	vld [tilespmem:s24+$0x4070]  }
0x9f: {  	v5 =	vld [tilespmem:s24+$0x4020]  }
0xa0: {  	v6 =	vld [tilespmem:s24+$0x4010]  }
0xa1: {  	v7 =	vld [tilespmem:s24+$0x4050]  }
0xa2: {  	v9 =	vld [tilespmem:s24+$0x4030]  }
0xa3: {  	v13 =	vld [tilespmem:s24+$0x4000]  }
0xa4: {  	v2 =	vmul.f32 $1.142857190e+00, v2;
	v3 =	vmul.f32 $1.142857190e+00, v3  }
0xa5: {  	v4 =	vmul.f32 $1.142857190e+00, v4;
	v5 =	vmul.f32 $1.142857190e+00, v5  }
0xa6: {  	v6 =	vmul.f32 $1.142857190e+00, v6;
	v7 =	vmul.f32 $1.142857190e+00, v7;
	v2 =	vadd.f32 $9.142857550e+00, v2  }
0xa7: {  	v9 =	vmul.f32 $1.142857190e+00, v9;
	v3 =	vadd.f32 $9.142857550e+00, v3;
	v4 =	vadd.f32 $9.142857550e+00, v4  }
0xa8: {  	v13 =	vmul.f32 $1.142857190e+00, v13;
	v5 =	vadd.f32 $9.142857550e+00, v5;
	v7 =	vadd.f32 $9.142857550e+00, v7  }
0xa9: {  	v9 =	vadd.f32 $9.142857550e+00, v9;
	v6 =	vadd.f32 $9.142857550e+00, v6;
	v2 =	vmax.f32 v2, $0.0e+00  }
0xaa: {  	v13 =	vadd.f32 $9.142857550e+00, v13;
	v3 =	vmax.f32 v3, $0.0e+00;
	v8 =	vmin.f32 v2, $1.550000000e+01  }
0xab: {  	v4 =	vmax.f32 v4, $0.0e+00;
	v5 =	vmax.f32 v5, $0.0e+00;
	v8 =	vtrunc.f32 v8  }
0xac: {  	v7 =	vmax.f32 v7, $0.0e+00;
	v10 =	vmin.f32 v3, $1.550000000e+01;
	v8 =	vcvt.f32.s32 v8  }
0xad: {  	v11 =	vmin.f32 v4, $1.550000000e+01;
	v14 =	vmin.f32 v7, $1.550000000e+01;
	v10 =	vtrunc.f32 v10  }
0xae: {  	v14 =	vtrunc.f32 v14;
	v11 =	vtrunc.f32 v11;
	v8 =	vand.u32 $0xF, v8  }
0xaf: {  	v17 =	vmin.f32 v5, $1.550000000e+01;
	v10 =	vcvt.f32.s32 v10;
	v12 =	vperm.xlane v1, v8  }
0xb0: {  	v15 =	vmax.f32 v9, $0.0e+00;
	v17 =	vtrunc.f32 v17;
	v11 =	vcvt.f32.s32 v11  }
0xb1: {  	v9 =	vcvt.f32.s32 v14;
	v10 =	vand.u32 $0xF, v10;
	v2 =	vmul.f32 v2, v12  }
0xb2: {  	v18 =	vmin.f32 v15, $1.550000000e+01;
	v12 =	vperm.xlane v0, v10;
	v10 =	vperm.xlane v1, v10  }
0xb3: {  	v18 =	vtrunc.f32 v18;
	v14 =	vmax.f32 v6, $0.0e+00;
	v6 =	vand.u32 $0xF, v9  }
0xb4: {  	s25 =	simm.s32 $0x80;
	v16 =	vperm.xlane v1, v6;
	v3 =	vmul.f32 v3, v10;
	v10 =	vand.u32 $0xF, v11  }
0xb5: {  	v13 =	vmax.f32 v13, $0.0e+00;
	v18 =	vcvt.f32.s32 v18;
	v11 =	vld [tilespmem:s25+$0x4070];
	v9 =	vperm.xlane v1, v10  }
0xb6: {  	v8 =	vperm.xlane v0, v8;
	v7 =	vmul.f32 v7, v16;
	v3 =	vadd.f32 v3, v12;
	v12 =	vld [tilespmem:s25+$0x4060]  }
0xb7: {  	v16 =	vmin.f32 v13, $1.550000000e+01;
	v10 =	vperm.xlane v0, v10;
	v4 =	vmul.f32 v4, v9;
	v9 =	vld [tilespmem:s25+$0x4040]  }
0xb8: {  	v19 =	vld [tilespmem:s25+$0x4050];
	v18 =	vand.u32 $0xF, v18;
	v2 =	vadd.f32 v2, v8;
	v8 =	vtrunc.f32 v16;
	[tilespmem:s24+$0xC040] =	vst v3  }
0xb9: {  	v6 =	vperm.xlane v0, v6;
	v8 =	vcvt.f32.s32 v8;
	v3 =	vadd.f32 v4, v10;
	v4 =	vld [tilespmem:s25+$0x4020]  }
0xba: {  	v26 =	vperm.xlane v1, v18;
	v10 =	vcvt.f32.s32 v17;
	v17 =	vld [tilespmem:s25+$0x4030]  }
0xbb: {  	v16 =	vadd.f32 v7, v6;
	v8 =	vand.u32 $0xF, v8;
	v7 =	vmul.f32 $1.142857190e+00, v12  }
0xbc: {  	[tilespmem:s24+$0xC070] =	vst v3;
	v3 =	vand.u32 $0xF, v10;
	v10 =	vmul.f32 $1.142857190e+00, v11;
	v9 =	vmul.f32 $1.142857190e+00, v9  }
0xbd: {  	v12 =	vperm.xlane v0, v3;
	v3 =	vperm.xlane v1, v3;
	v7 =	vadd.f32 $9.142857550e+00, v7  }
0xbe: {  	v11 =	vmin.f32 v14, $1.550000000e+01;
	v6 =	vld [tilespmem:s25+$0x4010];
	v9 =	vadd.f32 $9.142857550e+00, v9;
	v4 =	vmul.f32 $1.142857190e+00, v4  }
0xbf: {  	v3 =	vmul.f32 v5, v3;
	v17 =	vmul.f32 $1.142857190e+00, v17;
	v21 =	vmax.f32 v7, $0.0e+00  }
0xc0: {  	v7 =	vtrunc.f32 v11;
	v20 =	vmax.f32 v9, $0.0e+00;
	v9 =	vadd.f32 $9.142857550e+00, v10  }
0xc1: {  	v11 =	vcvt.f32.s32 v7;
	v7 =	vmul.f32 $1.142857190e+00, v19;
	v4 =	vadd.f32 $9.142857550e+00, v4  }
0xc2: {  	v3 =	vadd.f32 v3, v12;
	v12 =	vperm.xlane v0, v18;
	v17 =	vadd.f32 $9.142857550e+00, v17  }
0xc3: {  	v5 =	vmin.f32 v20, $1.550000000e+01;
	v22 =	vmul.f32 $1.142857190e+00, v6;
	v6 =	vmin.f32 v21, $1.550000000e+01  }
0xc4: {  	v5 =	vtrunc.f32 v5;
	v10 =	vtrunc.f32 v6;
	v6 =	vmax.f32 v9, $0.0e+00  }
0xc5: {  	v7 =	vadd.f32 $9.142857550e+00, v7;
	v24 =	vand.u32 $0xF, v11;
	v9 =	vcvt.f32.s32 v10  }
0xc6: {  	v4 =	vmax.f32 v4, $0.0e+00;
	v5 =	vcvt.f32.s32 v5;
	v10 =	vperm.xlane v0, v8  }
0xc7: {  	v19 =	vmin.f32 v6, $1.550000000e+01;
	v8 =	vperm.xlane v1, v8;
	v62 =	vperm.xlane v0, v24  }
0xc8: {  	v24 =	vperm.xlane v1, v24;
	v7 =	vmax.f32 v7, $0.0e+00;
	v19 =	vtrunc.f32 v19  }
0xc9: {  	v9 =	vand.u32 $0xF, v9;
	v13 =	vmul.f32 v13, v8;
	v19 =	vcvt.f32.s32 v19  }
0xca: {  	v25 =	vand.u32 $0xF, v5;
	v24 =	vmul.f32 v14, v24;
	v23 =	vperm.xlane v1, v9  }
0xcb: {  	v63 =	vmin.f32 v7, $1.550000000e+01;
	v11 =	vperm.xlane v0, v25;
	v25 =	vperm.xlane v1, v25  }
0xcc: {  	v22 =	vadd.f32 $9.142857550e+00, v22;
	v8 =	vld [tilespmem:s25+$0x4000];
	[tilespmem:s24+$0xC060] =	vst v2;
	v5 =	vmul.f32 v21, v23;
	v23 =	vtrunc.f32 v63  }
0xcd: {  	v2 =	vmax.f32 v17, $0.0e+00;
	[tilespmem:s24+$0xC050] =	vst v16;
	v16 =	vmul.f32 v15, v26;
	v23 =	vcvt.f32.s32 v23  }
0xce: {  	[tilespmem:s24+$0xC020] =	vst v3;
	v3 =	vmax.f32 v22, $0.0e+00;
	v9 =	vperm.xlane v0, v9;
	v18 =	vmul.f32 v20, v25  }
0xcf: {  	s26 =	simm.s32 $0x400;
	v17 =	vand.u32 $0xF, v19;
	v15 =	vadd.f32 v24, v62;
	v14 =	vand.u32 $0xF, v23  }
.LBB2_9:
0xd0: {  	s28 =	sshra.s32 s26, $0x2;
	p0 =	sne.s32 s26, $0xFE00;
	s26 =	sadd.s32 $0x200, s26;
	v11 =	vadd.f32 v18, v11;
	v18 =	vperm.xlane v1, v17;
	v10 =	vadd.f32 v13, v10  }
0xd1: {  	v8 =	vmul.f32 $1.142857190e+00, v8;
	v17 =	vperm.xlane v0, v17;
	v12 =	vadd.f32 v16, v12;
	v13 =	vld [tilespmem:s28+$0x4070];
	[tilespmem:s24+$0xC010] =	vst v15  }
0xd2: {  	v16 =	vmin.f32 v2, $1.550000000e+01;
	v19 =	vperm.xlane v1, v14;
	v15 =	vld [tilespmem:s28+$0x4060];
	v6 =	vmul.f32 v6, v18;
	[tilespmem:s24+$0xC000] =	vst v10  }
0xd3: {  	v14 =	vperm.xlane v0, v14;
	v8 =	vadd.f32 $9.142857550e+00, v8;
	v18 =	vmin.f32 v4, $1.550000000e+01;
	v10 =	vld [tilespmem:s28+$0x4040];
	[tilespmem:s24+$0xC030] =	vst v12;
	s24 =	smov.u32 s25;
	s25 =	smov.u32 s28  }
0xd4: {  	v16 =	vtrunc.f32 v16;
	v18 =	vtrunc.f32 v18;
	v12 =	vld [tilespmem:s25+$0x4050];
	[tilespmem:s24+$0xC040] =	vst v11;
	v6 =	vadd.f32 v6, v17  }
0xd5: {  	v7 =	vmul.f32 v7, v19;
	v17 =	vmax.f32 v8, $0.0e+00;
	v18 =	vcvt.f32.s32 v18;
	v11 =	vld [tilespmem:s25+$0x4020]  }
0xd6: {  	v5 =	vadd.f32 v5, v9;
	v16 =	vcvt.f32.s32 v16;
	v20 =	vmin.f32 v17, $1.550000000e+01;
	v19 =	vld [tilespmem:s25+$0x4030];
	[tilespmem:s24+$0xC070] =	vst v6  }
0xd7: {  	v7 =	vadd.f32 v7, v14;
	v6 =	vtrunc.f32 v20;
	v9 =	vand.u32 $0xF, v18;
	v8 =	vld [tilespmem:s25+$0x4000]  }
0xd8: {  	v16 =	vand.u32 $0xF, v16;
	v18 =	vcvt.f32.s32 v6;
	v14 =	vld [tilespmem:s25+$0x4010];
	v10 =	vmul.f32 $1.142857190e+00, v10;
	[tilespmem:s24+$0xC060] =	vst v5  }
0xd9: {  	v5 =	vmul.f32 $1.142857190e+00, v15;
	v15 =	vperm.xlane v0, v9;
	[tilespmem:s24+$0xC050] =	vst v7  }
0xda: {  	v9 =	vperm.xlane v1, v9;
	v7 =	vmul.f32 $1.142857190e+00, v13;
	v6 =	vadd.f32 $9.142857550e+00, v10  }
0xdb: {  	v10 =	vmul.f32 $1.142857190e+00, v11;
	v5 =	vadd.f32 $9.142857550e+00, v5;
	v11 =	vmin.f32 v3, $1.550000000e+01  }
0xdc: {  	v13 =	vmul.f32 v4, v9;
	v20 =	vmax.f32 v6, $0.0e+00;
	v6 =	vadd.f32 $9.142857550e+00, v7  }
0xdd: {  	v5 =	vmax.f32 v5, $0.0e+00;
	v7 =	vtrunc.f32 v11;
	v4 =	vmin.f32 v20, $1.550000000e+01  }
0xde: {  	v14 =	vmul.f32 $1.142857190e+00, v14;
	v9 =	vmin.f32 v5, $1.550000000e+01;
	v4 =	vtrunc.f32 v4  }
0xdf: {  	v11 =	vcvt.f32.s32 v7;
	v9 =	vtrunc.f32 v9;
	v6 =	vmax.f32 v6, $0.0e+00  }
0xe0: {  	v7 =	vadd.f32 $9.142857550e+00, v10;
	v10 =	vmul.f32 $1.142857190e+00, v12;
	v9 =	vcvt.f32.s32 v9  }
0xe1: {  	v18 =	vand.u32 $0xF, v18;
	v12 =	vcvt.f32.s32 v4;
	v21 =	vmin.f32 v6, $1.550000000e+01  }
0xe2: {  	v22 =	vadd.f32 $9.142857550e+00, v10;
	v10 =	vperm.xlane v0, v18;
	v9 =	vand.u32 $0xF, v9  }
0xe3: {  	v4 =	vmax.f32 v7, $0.0e+00;
	v18 =	vperm.xlane v1, v18;
	v23 =	vperm.xlane v1, v9  }
0xe4: {  	v19 =	vmul.f32 $1.142857190e+00, v19;
	v7 =	vmax.f32 v22, $0.0e+00;
	v22 =	vand.u32 $0xF, v11  }
0xe5: {  	v24 =	vand.u32 $0xF, v12;
	v5 =	vmul.f32 v5, v23;
	v23 =	vperm.xlane v0, v22  }
0xe6: {  	v11 =	vperm.xlane v0, v24;
	v12 =	vmin.f32 v7, $1.550000000e+01;
	v22 =	vperm.xlane v1, v22  }
0xe7: {  	v15 =	vadd.f32 v13, v15;
	v9 =	vperm.xlane v0, v9;
	v25 =	vtrunc.f32 v12  }
0xe8: {  	v21 =	vtrunc.f32 v21;
	v12 =	vperm.xlane v0, v16  }
.Ltmp4:
0xe9: {  	v19 =	vadd.f32 $9.142857550e+00, v19;
	v13 =	vmul.f32 v17, v18;
	v24 =	vperm.xlane v1, v24;
	[tilespmem:s24+$0xC020] =	vst v15;
	(pc) =	sbr.rel @p0 .LBB2_9-.Ltmp4, $4  }
0xea: {  	v14 =	vadd.f32 $9.142857550e+00, v14;
	v16 =	vperm.xlane v1, v16;
	v15 =	vcvt.f32.s32 v21  }
0xeb: {  	v19 =	vmax.f32 v19, $0.0e+00;
	v22 =	vmul.f32 v3, v22;
	v21 =	vcvt.f32.s32 v25  }
0xec: {  	v18 =	vmul.f32 v20, v24;
	v16 =	vmul.f32 v2, v16;
	v2 =	vmovc v19;
	v17 =	vand.u32 $0xF, v15  }
0xed: {  	v3 =	vmax.f32 v14, $0.0e+00;
	v14 =	vand.u32 $0xF, v21;
	v15 =	vadd.f32 v22, v23  }
0xee: {  	v11 =	vadd.f32 v18, v11;
	v43 =	vperm.xlane v1, v17;
	v8 =	vmul.f32 $1.142857190e+00, v8  }
0xef: {  	v10 =	vadd.f32 v13, v10;
	v44 =	vperm.xlane v0, v17;
	v12 =	vadd.f32 v16, v12  }
0xf0: {  	v45 =	vmin.f32 v2, $1.550000000e+01;
	v46 =	vperm.xlane v1, v14;
	v47 =	vmin.f32 v4, $1.550000000e+01  }
0xf1: {  	v48 =	vperm.xlane v0, v14;
	v49 =	vmin.f32 v3, $1.550000000e+01;
	v18 =	vtrunc.f32 v47  }
0xf2: {  	v16 =	vtrunc.f32 v45;
	v17 =	vtrunc.f32 v49;
	v8 =	vadd.f32 $9.142857550e+00, v8  }
0xf3: {  	v5 =	vadd.f32 v5, v9;
	v6 =	vmul.f32 v6, v43;
	v18 =	vcvt.f32.s32 v18  }
0xf4: {  	v7 =	vmul.f32 v7, v46;
	v16 =	vcvt.f32.s32 v16;
	v8 =	vmax.f32 v8, $0.0e+00  }
0xf5: {  	v17 =	vcvt.f32.s32 v17;
	v18 =	vand.u32 $0xF, v18;
	v19 =	vmin.f32 v8, $1.550000000e+01  }
0xf6: {  	[tilespmem:s24+$0xC010] =	vst v15;
	v6 =	vadd.f32 v6, v44;
	v51 =	vperm.xlane v1, v18;
	v19 =	vtrunc.f32 v19  }
0xf7: {  	[tilespmem:s24+$0xC000] =	vst v10;
	v53 =	vand.u32 $0xF, v17;
	v52 =	vperm.xlane v0, v18;
	v50 =	vcvt.f32.s32 v19  }
0xf8: {  	[tilespmem:s24+$0xC030] =	vst v12;
	v57 =	vand.u32 $0xF, v16;
	v56 =	vperm.xlane v1, v53;
	v10 =	vperm.xlane v0, v53  }
0xf9: {  	[tilespmem:s25+$0xC040] =	vst v11;
	v60 =	vperm.xlane v1, v57;
	v54 =	vmul.f32 v4, v51;
	v55 =	vand.u32 $0xF, v50  }
0xfa: {  	[tilespmem:s25+$0xC060] =	vst v5;
	v59 =	vadd.f32 v7, v48;
	v3 =	vmul.f32 v3, v56;
	v58 =	vperm.xlane v1, v55  }
0xfb: {  	s22 =	sadd.s32 $0x1, s22;
	v62 =	vperm.xlane v0, v57;
	[tilespmem:s25+$0xC070] =	vst v6;
	v2 =	vmul.f32 v2, v60;
	v4 =	vadd.f32 v54, v52  }
0xfc: {  	p0 =	sne.s32 s22, $0x10;
	[tilespmem:s25+$0xC050] =	vst v59;
	v3 =	vadd.f32 v3, v10;
	v61 =	vperm.xlane v0, v55;
	v8 =	vmul.f32 v8, v58  }
.Ltmp5:
0xfd: {  	v2 =	vadd.f32 v2, v62;
	[tilespmem:s25+$0xC020] =	vst v4;
	(pc) =	sbr.rel @p0 .LBB2_2-.Ltmp5, $4  }
0xfe: {  	[tilespmem:s25+$0xC010] =	vst v3;
	v63 =	vadd.f32 v8, v61  }
0xff: {  	[tilespmem:s25+$0xC030] =	vst v2  }
0x100: {  	s23 =	sadd.s32 s2, s23;
	[tilespmem:s25+$0xC000] =	vst v63  }
0x101: {  	[hbm4b:s23+s4] =	stream.linear.scatter [tilespmem:s19], [sflag:$0x4], $0x4000, $0x38;
	[tilespmem:$0x10100] =	vst v63  }
0x102: {  	s21 =	sadd.s32 $0x1, s21  }
0x103: {  	_ =	swait.ge [sflag:s20], $0x4000;
	p0 =	sne.s32 s21, s10  }
.Ltmp6:
0x104: {  	[sflag:s20] =	ssyncset.done $0x0;
	(pc) =	sbr.rel @p0 .LBB2_1-.Ltmp6, $4  }
0x105: {  	[sflag:s20] =	ssyncadd.s32 $0xFFFFC000  }
0x106: {  	_ =	swait.ge [sflag:s18], $0x4000  }
0x107: {  	[sflag:s18] =	ssyncset.done $0x0  }
0x108: {  	[sflag:s18] =	ssyncadd.s32 $0xFFFFC000  }
0x109: {  	_ =	sfence.sel $0x180000  }
0x10a: {  	[bflag:$0x0] =	sbarrier.arrive $0xFFFF  }
0x10b: {  	p0 =	sne.s32 s3, $0x0;
	_ =	strace $0x90000047  }
0x10c: {  	s0 =	sadd.s32 @!p0 $0x100000, s0;
	[bflag:$0x2] =	sbarrier.arrive $0xFFFF  }
0x10d: {  	[sflag:s0] =	ssyncadd.tile.s32 @!p0 $0x1;
	_ =	shalt  }
.Lfunc_end2:
_tile_overlayer_lowered:
.L_overlay_start_2:
0x10e: {  	(tag) =	ssettag $0x2  }
0x10f: {  	s0 =	rddreg [dreg:$0x0];
	s2 =	stileid.u32  }
0x110: {  	s1 =	rddreg [dreg:$0x1];
	p0 =	sne.s32 s2, $0x0  }
0x111: {  	s3 =	rddreg [dreg:$0x2];
	[bflag:$0x3] =	sbarrier.arrive $0xFFFF;
	s2 =	simm.s32 @!p0 $0x1C05  }
0x112: {  	[timem:s3], [sflag:s2] =	dma.local @!p0 [hbm:s0], s1  }
0x113: {  	s0 =	simm.s32 @!p0 $0x5  }
0x114: {  	_ =	swait.ge @!p0 [sflag:s0], s1  }
0x115: {  	s1 =	ssub.s32 @!p0 $0x0, s1;
	[sflag:s0] =	ssyncset.done @!p0 $0x0  }
0x116: {  	[sflag:s0] =	ssyncadd.s32 @!p0 s1  }
0x117: {  	[bflag:$0x3] =	sbarrier.arrive $0xFFFF  }
0x118: {  	_ =	shalt  }

</sc_bundles>
